<compile_context>
chip_gen: v7x
topology: tpu7x:2x2x1
jax: 0.10.2.dev20260603
libtpu: 0.0.44.dev20260713+nightly
codegen_flags: <defaults>
</compile_context>

<pallas_src>
import functools

import jax
import jax.numpy as jnp
from jax import lax
from jax.experimental import pallas as pl
from jax.experimental.pallas import tpu as pltpu
from jax.experimental.pallas import tpu_sc as plsc

_B, _S = 16, 2048
_NW = 32
_CHUNK = (_B * _S) // _NW
_L = 16


def _sc_body(scores_hbm, masks_hbm, bias_hbm, out_hbm,
             scores_v, masks_v, out_v, bias_v):
    wid = lax.axis_index("s") * 2 + lax.axis_index("c")
    base = wid * _CHUNK
    pltpu.sync_copy(bias_hbm, bias_v.at[pl.ds(0, 1)])
    pltpu.sync_copy(scores_hbm.at[pl.ds(base, _CHUNK)], scores_v)
    pltpu.sync_copy(masks_hbm.at[pl.ds(base, _CHUNK)], masks_v)
    b = bias_v[...][0]
    for i in range(_CHUNK // _L):
        sl = pl.ds(i * _L, _L)
        out_v[sl] = (scores_v[sl] + b) * masks_v[sl].astype(jnp.float32)
    pltpu.sync_copy(out_v, out_hbm.at[pl.ds(base, _CHUNK)])


@functools.partial(jax.jit, static_argnums=())
def _sc_call(scores_flat, masks_flat, bias_vec):
    mesh = plsc.VectorSubcoreMesh(core_axis_name="c", subcore_axis_name="s")
    fn = pl.kernel(
        _sc_body,
        out_type=jax.ShapeDtypeStruct((_B * _S,), jnp.float32),
        mesh=mesh,
        scratch_types=[
            pltpu.VMEM((_CHUNK,), jnp.float32),
            pltpu.VMEM((_CHUNK,), jnp.int32),
            pltpu.VMEM((_CHUNK,), jnp.float32),
            pltpu.VMEM((_L,), jnp.float32),
        ],
    )
    return fn(scores_flat, masks_flat, bias_vec)


def kernel(sent_group_scores, sel_sent_emb, sel_sent_masks, group_embs, candi_sent_masks, bias):
    del sel_sent_emb, sel_sent_masks, group_embs
    out = _sc_call(
        sent_group_scores.reshape(_B * _S),
        candi_sent_masks.reshape(_B * _S),
        bias.reshape(1),
    )
    return out.reshape(_B, _S)

# --- scband reference (transcript-rebuilt; emitter-appended) ---
"""Pipeline reference for scband-hit-map-bilinear-match-model-5695126635148 (READ-ONLY COPY).

The authoritative reference and input builder live on the scoring server;
editing this copy changes nothing except your own understanding.
"""

import jax, jax.numpy as jnp
import numpy as np

def setup_inputs(seed: int = 0) -> dict:
    key = jax.random.key(seed)
    k1, k2, k3, k4, k5 = jax.random.split(key, 5)
    B, S, SEL, D = 16, 2048, 128, 768
    return {
        "sent_group_scores": jax.random.normal(k1, (B, S), dtype=jnp.float32),
        "sel_sent_emb": jax.random.normal(k2, (B, SEL, D), dtype=jnp.float32),
        "sel_sent_masks": jax.random.randint(k3, (B, SEL), 0, 2, dtype=jnp.int32),
        "group_embs": jax.random.normal(k4, (B, S, D), dtype=jnp.float32),
        "candi_sent_masks": jax.random.randint(k5, (B, S), 0, 2, dtype=jnp.int32),
        "bias": jnp.zeros((), dtype=jnp.float32),
    }

def reference(sent_group_scores, sel_sent_emb, sel_sent_masks, group_embs, candi_sent_masks, bias):
    # Faithful translation of HitMapBilinearMatchModel.forward with
    # sel_sent_hit_map=None (its default), which selects the simple branch:
    #   h_3 = sent_group_scores + self.bias
    #   sent_scores = h_3 * candi_sent_masks.float()
    h_3 = sent_group_scores + bias
    sent_scores = h_3 * candi_sent_masks.astype(jnp.float32)
    return sent_scores

if __name__ == "__main__":
    import jax
    _d = setup_inputs()
    print(jax.jit(kernel)(*tuple(_d.values())))

</pallas_src>

<mosaic_0001>
#map = affine_map<(d0, d1) -> (0)>
module attributes {stable_mosaic.version = 14 : i64} {
  func.func @_sc_body(%arg0: i32, %arg1: i32, %arg2: memref<32768xf32, #tpu.memory_space<hbm>>, %arg3: memref<32768xi32, #tpu.memory_space<hbm>>, %arg4: memref<1xf32, #tpu.memory_space<hbm>>, %arg5: memref<32768xf32, #tpu.memory_space<hbm>>, %arg6: memref<1024xf32, #tpu.memory_space<vmem>>, %arg7: memref<1024xi32, #tpu.memory_space<vmem>>, %arg8: memref<1024xf32, #tpu.memory_space<vmem>>, %arg9: memref<16xf32, #tpu.memory_space<vmem>>) attributes {dimension_semantics = [#tpu.dimension_semantics<core_parallel>, #tpu.dimension_semantics<subcore_parallel>], iteration_bounds = array<i64: 2, 16>, scalar_prefetch = 0 : i64, scratch_operands = 4 : i64, tpu.core_type = #tpu.core_type<sc_vector_subcore>, window_params = [{transform_indices = #map}, {transform_indices = #map}, {transform_indices = #map}, {transform_indices = #map}]} {
    %mul3A = arith.constant 2 : i32
    %mul3A_0 = arith.muli %arg1, %mul3A : i32
    %add3A = arith.addi %mul3A_0, %arg0 : i32
    %mul3A_1 = arith.constant 1024 : i32
    %mul3A_2 = arith.muli %add3A, %mul3A_1 : i32
    "tpu.region"() ({
      %run_scoped3A = tpu.sem_alloc : memref<!tpu.dma_semaphore, #tpu.memory_space<semaphore_mem>>
      %dma_start3A = arith.constant 0 : i32
      %dma_start3A_899 = tpu.memref_slice %arg9[%dma_start3A] : memref<16xf32, #tpu.memory_space<vmem>> -> memref<1xf32, #tpu.memory_space<vmem>>
      %dma_start3A_900 = arith.constant 0 : i32
      %dma_start3A_901 = tpu.memref_slice %arg9[%dma_start3A_900] : memref<16xf32, #tpu.memory_space<vmem>> -> memref<1xf32, #tpu.memory_space<vmem>>
      tpu.enqueue_dma source(%arg4 : memref<1xf32, #tpu.memory_space<hbm>>) target(%dma_start3A_901 : memref<1xf32, #tpu.memory_space<vmem>>) target_semaphore(%run_scoped3A : memref<!tpu.dma_semaphore, #tpu.memory_space<semaphore_mem>>)
      %dma_wait3A = arith.constant 0 : i32
      %dma_wait3A_902 = tpu.memref_slice %arg9[%dma_wait3A] : memref<16xf32, #tpu.memory_space<vmem>> -> memref<1xf32, #tpu.memory_space<vmem>>
      %dma_wait3A_903 = arith.constant 0 : i32
      %dma_wait3A_904 = tpu.memref_slice %arg9[%dma_wait3A_903] : memref<16xf32, #tpu.memory_space<vmem>> -> memref<1xf32, #tpu.memory_space<vmem>>
      tpu.wait_dma2 semaphore(%run_scoped3A : memref<!tpu.dma_semaphore, #tpu.memory_space<semaphore_mem>>) src(%arg4 : memref<1xf32, #tpu.memory_space<hbm>>) dst(%dma_wait3A_904 : memref<1xf32, #tpu.memory_space<vmem>>)
      tpu.yield
    }) : () -> ()
    "tpu.region"() ({
      %run_scoped3A = tpu.sem_alloc : memref<!tpu.dma_semaphore, #tpu.memory_space<semaphore_mem>>
      %dma_start3A = tpu.memref_slice %arg2[%mul3A_2] : memref<32768xf32, #tpu.memory_space<hbm>> -> memref<1024xf32, #tpu.memory_space<hbm>>
      %dma_start3A_899 = tpu.memref_slice %arg2[%mul3A_2] : memref<32768xf32, #tpu.memory_space<hbm>> -> memref<1024xf32, #tpu.memory_space<hbm>>
      tpu.enqueue_dma source(%dma_start3A_899 : memref<1024xf32, #tpu.memory_space<hbm>>) target(%arg6 : memref<1024xf32, #tpu.memory_space<vmem>>) target_semaphore(%run_scoped3A : memref<!tpu.dma_semaphore, #tpu.memory_space<semaphore_mem>>)
      %dma_wait3A = tpu.memref_slice %arg2[%mul3A_2] : memref<32768xf32, #tpu.memory_space<hbm>> -> memref<1024xf32, #tpu.memory_space<hbm>>
      %dma_wait3A_900 = tpu.memref_slice %arg2[%mul3A_2] : memref<32768xf32, #tpu.memory_space<hbm>> -> memref<1024xf32, #tpu.memory_space<hbm>>
      tpu.wait_dma2 semaphore(%run_scoped3A : memref<!tpu.dma_semaphore, #tpu.memory_space<semaphore_mem>>) src(%dma_wait3A_900 : memref<1024xf32, #tpu.memory_space<hbm>>) dst(%arg6 : memref<1024xf32, #tpu.memory_space<vmem>>)
      tpu.yield
    }) : () -> ()
    "tpu.region"() ({
      %run_scoped3A = tpu.sem_alloc : memref<!tpu.dma_semaphore, #tpu.memory_space<semaphore_mem>>
      %dma_start3A = tpu.memref_slice %arg3[%mul3A_2] : memref<32768xi32, #tpu.memory_space<hbm>> -> memref<1024xi32, #tpu.memory_space<hbm>>
      %dma_start3A_899 = tpu.memref_slice %arg3[%mul3A_2] : memref<32768xi32, #tpu.memory_space<hbm>> -> memref<1024xi32, #tpu.memory_space<hbm>>
      tpu.enqueue_dma source(%dma_start3A_899 : memref<1024xi32, #tpu.memory_space<hbm>>) target(%arg7 : memref<1024xi32, #tpu.memory_space<vmem>>) target_semaphore(%run_scoped3A : memref<!tpu.dma_semaphore, #tpu.memory_space<semaphore_mem>>)
      %dma_wait3A = tpu.memref_slice %arg3[%mul3A_2] : memref<32768xi32, #tpu.memory_space<hbm>> -> memref<1024xi32, #tpu.memory_space<hbm>>
      %dma_wait3A_900 = tpu.memref_slice %arg3[%mul3A_2] : memref<32768xi32, #tpu.memory_space<hbm>> -> memref<1024xi32, #tpu.memory_space<hbm>>
      tpu.wait_dma2 semaphore(%run_scoped3A : memref<!tpu.dma_semaphore, #tpu.memory_space<semaphore_mem>>) src(%dma_wait3A_900 : memref<1024xi32, #tpu.memory_space<hbm>>) dst(%arg7 : memref<1024xi32, #tpu.memory_space<vmem>>)
      tpu.yield
    }) : () -> ()
    %get3A = arith.constant 0 : index
    %get3A_3 = tpu.vector_load %arg9[%get3A] {strides = array<i32>} : memref<16xf32, #tpu.memory_space<vmem>>, vector<16xf32>,
    %get3A_4 = vector.shape_cast %get3A_3 : vector<16xf32> to vector<16xf32>
    %slice3A = vector.extract_strided_slice %get3A_4 {offsets = [0], sizes = [1], strides = [1]} : vector<16xf32> to vector<1xf32>
    %squeeze3A = vector.extract %slice3A[0] : f32 from vector<1xf32>
    %get3A_5 = arith.constant 0 : index
    %get3A_6 = tpu.vector_load %arg6[%get3A_5] {strides = array<i32>} : memref<1024xf32, #tpu.memory_space<vmem>>, vector<16xf32>,
    %get3A_7 = vector.shape_cast %get3A_6 : vector<16xf32> to vector<16xf32>
    %add3A_8 = vector.broadcast %squeeze3A : f32 to vector<16xf32>
    %add3A_9 = arith.addf %get3A_7, %add3A_8 : vector<16xf32>
    %get3A_10 = arith.constant 0 : index
    %get3A_11 = tpu.vector_load %arg7[%get3A_10] {strides = array<i32>} : memref<1024xi32, #tpu.memory_space<vmem>>, vector<16xi32>,
    %get3A_12 = vector.shape_cast %get3A_11 : vector<16xi32> to vector<16xi32>
    %convert_element_type3A = arith.sitofp %get3A_12 : vector<16xi32> to vector<16xf32>
    %mul3A_13 = arith.mulf %add3A_9, %convert_element_type3A : vector<16xf32>
    %swap3A = arith.constant 0 : index
    %swap3A_14 = tpu.vector_load %arg8[%swap3A] {strides = array<i32>} : memref<1024xf32, #tpu.memory_space<vmem>>, vector<16xf32>,
    %swap3A_15 = vector.shape_cast %swap3A_14 : vector<16xf32> to vector<16xf32>
    %swap3A_16 = vector.shape_cast %mul3A_13 : vector<16xf32> to vector<16xf32>
    tpu.vector_store %arg8[%swap3A], %swap3A_16 {strides = array<i32>} : memref<1024xf32, #tpu.memory_space<vmem>>, vector<16xf32>,
    %get3A_17 = arith.constant 16 : index
    %get3A_18 = tpu.vector_load %arg6[%get3A_17] {strides = array<i32>} : memref<1024xf32, #tpu.memory_space<vmem>>, vector<16xf32>,
    %get3A_19 = vector.shape_cast %get3A_18 : vector<16xf32> to vector<16xf32>
    %add3A_20 = vector.broadcast %squeeze3A : f32 to vector<16xf32>
    %add3A_21 = arith.addf %get3A_19, %add3A_20 : vector<16xf32>
    %get3A_22 = arith.constant 16 : index
    %get3A_23 = tpu.vector_load %arg7[%get3A_22] {strides = array<i32>} : memref<1024xi32, #tpu.memory_space<vmem>>, vector<16xi32>,
    %get3A_24 = vector.shape_cast %get3A_23 : vector<16xi32> to vector<16xi32>
    %convert_element_type3A_25 = arith.sitofp %get3A_24 : vector<16xi32> to vector<16xf32>
    %mul3A_26 = arith.mulf %add3A_21, %convert_element_type3A_25 : vector<16xf32>
    %swap3A_27 = arith.constant 16 : index
    %swap3A_28 = tpu.vector_load %arg8[%swap3A_27] {strides = array<i32>} : memref<1024xf32, #tpu.memory_space<vmem>>, vector<16xf32>,
    %swap3A_29 = vector.shape_cast %swap3A_28 : vector<16xf32> to vector<16xf32>
    %swap3A_30 = vector.shape_cast %mul3A_26 : vector<16xf32> to vector<16xf32>
    tpu.vector_store %arg8[%swap3A_27], %swap3A_30 {strides = array<i32>} : memref<1024xf32, #tpu.memory_space<vmem>>, vector<16xf32>,
    %get3A_31 = arith.constant 32 : index
    %get3A_32 = tpu.vector_load %arg6[%get3A_31] {strides = array<i32>} : memref<1024xf32, #tpu.memory_space<vmem>>, vector<16xf32>,
    %get3A_33 = vector.shape_cast %get3A_32 : vector<16xf32> to vector<16xf32>
    %add3A_34 = vector.broadcast %squeeze3A : f32 to vector<16xf32>
    %add3A_35 = arith.addf %get3A_33, %add3A_34 : vector<16xf32>
    %get3A_36 = arith.constant 32 : index
    %get3A_37 = tpu.vector_load %arg7[%get3A_36] {strides = array<i32>} : memref<1024xi32, #tpu.memory_space<vmem>>, vector<16xi32>,
    %get3A_38 = vector.shape_cast %get3A_37 : vector<16xi32> to vector<16xi32>
    %convert_element_type3A_39 = arith.sitofp %get3A_38 : vector<16xi32> to vector<16xf32>
    %mul3A_40 = arith.mulf %add3A_35, %convert_element_type3A_39 : vector<16xf32>
    %swap3A_41 = arith.constant 32 : index
    %swap3A_42 = tpu.vector_load %arg8[%swap3A_41] {strides = array<i32>} : memref<1024xf32, #tpu.memory_space<vmem>>, vector<16xf32>,
    %swap3A_43 = vector.shape_cast %swap3A_42 : vector<16xf32> to vector<16xf32>
    %swap3A_44 = vector.shape_cast %mul3A_40 : vector<16xf32> to vector<16xf32>
    tpu.vector_store %arg8[%swap3A_41], %swap3A_44 {strides = array<i32>} : memref<1024xf32, #tpu.memory_space<vmem>>, vector<16xf32>,
    %get3A_45 = arith.constant 48 : index
    %get3A_46 = tpu.vector_load %arg6[%get3A_45] {strides = array<i32>} : memref<1024xf32, #tpu.memory_space<vmem>>, vector<16xf32>,
    %get3A_47 = vector.shape_cast %get3A_46 : vector<16xf32> to vector<16xf32>
    %add3A_48 = vector.broadcast %squeeze3A : f32 to vector<16xf32>
    %add3A_49 = arith.addf %get3A_47, %add3A_48 : vector<16xf32>
    %get3A_50 = arith.constant 48 : index
    %get3A_51 = tpu.vector_load %arg7[%get3A_50] {strides = array<i32>} : memref<1024xi32, #tpu.memory_space<vmem>>, vector<16xi32>,
    %get3A_52 = vector.shape_cast %get3A_51 : vector<16xi32> to vector<16xi32>
    %convert_element_type3A_53 = arith.sitofp %get3A_52 : vector<16xi32> to vector<16xf32>
    %mul3A_54 = arith.mulf %add3A_49, %convert_element_type3A_53 : vector<16xf32>
    %swap3A_55 = arith.constant 48 : index
    %swap3A_56 = tpu.vector_load %arg8[%swap3A_55] {strides = array<i32>} : memref<1024xf32, #tpu.memory_space<vmem>>, vector<16xf32>,
    %swap3A_57 = vector.shape_cast %swap3A_56 : vector<16xf32> to vector<16xf32>
    %swap3A_58 = vector.shape_cast %mul3A_54 : vector<16xf32> to vector<16xf32>
    tpu.vector_store %arg8[%swap3A_55], %swap3A_58 {strides = array<i32>} : memref<1024xf32, #tpu.memory_space<vmem>>, vector<16xf32>,
    %get3A_59 = arith.constant 64 : index
    %get3A_60 = tpu.vector_load %arg6[%get3A_59] {strides = array<i32>} : memref<1024xf32, #tpu.memory_space<vmem>>, vector<16xf32>,
    %get3A_61 = vector.shape_cast %get3A_60 : vector<16xf32> to vector<16xf32>
    %add3A_62 = vector.broadcast %squeeze3A : f32 to vector<16xf32>
    %add3A_63 = arith.addf %get3A_61, %add3A_62 : vector<16xf32>
    %get3A_64 = arith.constant 64 : index
    %get3A_65 = tpu.vector_load %arg7[%get3A_64] {strides = array<i32>} : memref<1024xi32, #tpu.memory_space<vmem>>, vector<16xi32>,
    %get3A_66 = vector.shape_cast %get3A_65 : vector<16xi32> to vector<16xi32>
    %convert_element_type3A_67 = arith.sitofp %get3A_66 : vector<16xi32> to vector<16xf32>
    %mul3A_68 = arith.mulf %add3A_63, %convert_element_type3A_67 : vector<16xf32>
    %swap3A_69 = arith.constant 64 : index
    %swap3A_70 = tpu.vector_load %arg8[%swap3A_69] {strides = array<i32>} : memref<1024xf32, #tpu.memory_space<vmem>>, vector<16xf32>,
    %swap3A_71 = vector.shape_cast %swap3A_70 : vector<16xf32> to vector<16xf32>
    %swap3A_72 = vector.shape_cast %mul3A_68 : vector<16xf32> to vector<16xf32>
    tpu.vector_store %arg8[%swap3A_69], %swap3A_72 {strides = array<i32>} : memref<1024xf32, #tpu.memory_space<vmem>>, vector<16xf32>,
    %get3A_73 = arith.constant 80 : index
    %get3A_74 = tpu.vector_load %arg6[%get3A_73] {strides = array<i32>} : memref<1024xf32, #tpu.memory_space<vmem>>, vector<16xf32>,
    %get3A_75 = vector.shape_cast %get3A_74 : vector<16xf32> to vector<16xf32>
    %add3A_76 = vector.broadcast %squeeze3A : f32 to vector<16xf32>
    %add3A_77 = arith.addf %get3A_75, %add3A_76 : vector<16xf32>
    %get3A_78 = arith.constant 80 : index
    %get3A_79 = tpu.vector_load %arg7[%get3A_78] {strides = array<i32>} : memref<1024xi32, #tpu.memory_space<vmem>>, vector<16xi32>,
    %get3A_80 = vector.shape_cast %get3A_79 : vector<16xi32> to vector<16xi32>
    %convert_element_type3A_81 = arith.sitofp %get3A_80 : vector<16xi32> to vector<16xf32>
    %mul3A_82 = arith.mulf %add3A_77, %convert_element_type3A_81 : vector<16xf32>
    %swap3A_83 = arith.constant 80 : index
    %swap3A_84 = tpu.vector_load %arg8[%swap3A_83] {strides = array<i32>} : memref<1024xf32, #tpu.memory_space<vmem>>, vector<16xf32>,
    %swap3A_85 = vector.shape_cast %swap3A_84 : vector<16xf32> to vector<16xf32>
    %swap3A_86 = vector.shape_cast %mul3A_82 : vector<16xf32> to vector<16xf32>
    tpu.vector_store %arg8[%swap3A_83], %swap3A_86 {strides = array<i32>} : memref<1024xf32, #tpu.memory_space<vmem>>, vector<16xf32>,
    %get3A_87 = arith.constant 96 : index
    %get3A_88 = tpu.vector_load %arg6[%get3A_87] {strides = array<i32>} : memref<1024xf32, #tpu.memory_space<vmem>>, vector<16xf32>,
    %get3A_89 = vector.shape_cast %get3A_88 : vector<16xf32> to vector<16xf32>
    %add3A_90 = vector.broadcast %squeeze3A : f32 to vector<16xf32>
    %add3A_91 = arith.addf %get3A_89, %add3A_90 : vector<16xf32>
    %get3A_92 = arith.constant 96 : index
    %get3A_93 = tpu.vector_load %arg7[%get3A_92] {strides = array<i32>} : memref<1024xi32, #tpu.memory_space<vmem>>, vector<16xi32>,
    %get3A_94 = vector.shape_cast %get3A_93 : vector<16xi32> to vector<16xi32>
    %convert_element_type3A_95 = arith.sitofp %get3A_94 : vector<16xi32> to vector<16xf32>
    %mul3A_96 = arith.mulf %add3A_91, %convert_element_type3A_95 : vector<16xf32>
    %swap3A_97 = arith.constant 96 : index
    %swap3A_98 = tpu.vector_load %arg8[%swap3A_97] {strides = array<i32>} : memref<1024xf32, #tpu.memory_space<vmem>>, vector<16xf32>,
    %swap3A_99 = vector.shape_cast %swap3A_98 : vector<16xf32> to vector<16xf32>
    %swap3A_100 = vector.shape_cast %mul3A_96 : vector<16xf32> to vector<16xf32>
    tpu.vector_store %arg8[%swap3A_97], %swap3A_100 {strides = array<i32>} : memref<1024xf32, #tpu.memory_space<vmem>>, vector<16xf32>,
    %get3A_101 = arith.constant 112 : index
    %get3A_102 = tpu.vector_load %arg6[%get3A_101] {strides = array<i32>} : memref<1024xf32, #tpu.memory_space<vmem>>, vector<16xf32>,
    %get3A_103 = vector.shape_cast %get3A_102 : vector<16xf32> to vector<16xf32>
    %add3A_104 = vector.broadcast %squeeze3A : f32 to vector<16xf32>
    %add3A_105 = arith.addf %get3A_103, %add3A_104 : vector<16xf32>
    %get3A_106 = arith.constant 112 : index
    %get3A_107 = tpu.vector_load %arg7[%get3A_106] {strides = array<i32>} : memref<1024xi32, #tpu.memory_space<vmem>>, vector<16xi32>,
    %get3A_108 = vector.shape_cast %get3A_107 : vector<16xi32> to vector<16xi32>
    %convert_element_type3A_109 = arith.sitofp %get3A_108 : vector<16xi32> to vector<16xf32>
    %mul3A_110 = arith.mulf %add3A_105, %convert_element_type3A_109 : vector<16xf32>
    %swap3A_111 = arith.constant 112 : index
    %swap3A_112 = tpu.vector_load %arg8[%swap3A_111] {strides = array<i32>} : memref<1024xf32, #tpu.memory_space<vmem>>, vector<16xf32>,
    %swap3A_113 = vector.shape_cast %swap3A_112 : vector<16xf32> to vector<16xf32>
    %swap3A_114 = vector.shape_cast %mul3A_110 : vector<16xf32> to vector<16xf32>
    tpu.vector_store %arg8[%swap3A_111], %swap3A_114 {strides = array<i32>} : memref<1024xf32, #tpu.memory_space<vmem>>, vector<16xf32>,
    %get3A_115 = arith.constant 128 : index
    %get3A_116 = tpu.vector_load %arg6[%get3A_115] {strides = array<i32>} : memref<1024xf32, #tpu.memory_space<vmem>>, vector<16xf32>,
    %get3A_117 = vector.shape_cast %get3A_116 : vector<16xf32> to vector<16xf32>
    %add3A_118 = vector.broadcast %squeeze3A : f32 to vector<16xf32>
    %add3A_119 = arith.addf %get3A_117, %add3A_118 : vector<16xf32>
    %get3A_120 = arith.constant 128 : index
    %get3A_121 = tpu.vector_load %arg7[%get3A_120] {strides = array<i32>} : memref<1024xi32, #tpu.memory_space<vmem>>, vector<16xi32>,
    %get3A_122 = vector.shape_cast %get3A_121 : vector<16xi32> to vector<16xi32>
    %convert_element_type3A_123 = arith.sitofp %get3A_122 : vector<16xi32> to vector<16xf32>
    %mul3A_124 = arith.mulf %add3A_119, %convert_element_type3A_123 : vector<16xf32>
    %swap3A_125 = arith.constant 128 : index
    %swap3A_126 = tpu.vector_load %arg8[%swap3A_125] {strides = array<i32>} : memref<1024xf32, #tpu.memory_space<vmem>>, vector<16xf32>,
    %swap3A_127 = vector.shape_cast %swap3A_126 : vector<16xf32> to vector<16xf32>
    %swap3A_128 = vector.shape_cast %mul3A_124 : vector<16xf32> to vector<16xf32>
    tpu.vector_store %arg8[%swap3A_125], %swap3A_128 {strides = array<i32>} : memref<1024xf32, #tpu.memory_space<vmem>>, vector<16xf32>,
    %get3A_129 = arith.constant 144 : index
    %get3A_130 = tpu.vector_load %arg6[%get3A_129] {strides = array<i32>} : memref<1024xf32, #tpu.memory_space<vmem>>, vector<16xf32>,
    %get3A_131 = vector.shape_cast %get3A_130 : vector<16xf32> to vector<16xf32>
    %add3A_132 = vector.broadcast %squeeze3A : f32 to vector<16xf32>
    %add3A_133 = arith.addf %get3A_131, %add3A_132 : vector<16xf32>
    %get3A_134 = arith.constant 144 : index
    %get3A_135 = tpu.vector_load %arg7[%get3A_134] {strides = array<i32>} : memref<1024xi32, #tpu.memory_space<vmem>>, vector<16xi32>,
    %get3A_136 = vector.shape_cast %get3A_135 : vector<16xi32> to vector<16xi32>
    %convert_element_type3A_137 = arith.sitofp %get3A_136 : vector<16xi32> to vector<16xf32>
    %mul3A_138 = arith.mulf %add3A_133, %convert_element_type3A_137 : vector<16xf32>
    %swap3A_139 = arith.constant 144 : index
    %swap3A_140 = tpu.vector_load %arg8[%swap3A_139] {strides = array<i32>} : memref<1024xf32, #tpu.memory_space<vmem>>, vector<16xf32>,
    %swap3A_141 = vector.shape_cast %swap3A_140 : vector<16xf32> to vector<16xf32>
    %swap3A_142 = vector.shape_cast %mul3A_138 : vector<16xf32> to vector<16xf32>
    tpu.vector_store %arg8[%swap3A_139], %swap3A_142 {strides = array<i32>} : memref<1024xf32, #tpu.memory_space<vmem>>, vector<16xf32>,
    %get3A_143 = arith.constant 160 : index
    %get3A_144 = tpu.vector_load %arg6[%get3A_143] {strides = array<i32>} : memref<1024xf32, #tpu.memory_space<vmem>>, vector<16xf32>,
    %get3A_145 = vector.shape_cast %get3A_144 : vector<16xf32> to vector<16xf32>
    %add3A_146 = vector.broadcast %squeeze3A : f32 to vector<16xf32>
    %add3A_147 = arith.addf %get3A_145, %add3A_146 : vector<16xf32>
    %get3A_148 = arith.constant 160 : index
    %get3A_149 = tpu.vector_load %arg7[%get3A_148] {strides = array<i32>} : memref<1024xi32, #tpu.memory_space<vmem>>, vector<16xi32>,
    %get3A_150 = vector.shape_cast %get3A_149 : vector<16xi32> to vector<16xi32>
    %convert_element_type3A_151 = arith.sitofp %get3A_150 : vector<16xi32> to vector<16xf32>
    %mul3A_152 = arith.mulf %add3A_147, %convert_element_type3A_151 : vector<16xf32>
    %swap3A_153 = arith.constant 160 : index
    %swap3A_154 = tpu.vector_load %arg8[%swap3A_153] {strides = array<i32>} : memref<1024xf32, #tpu.memory_space<vmem>>, vector<16xf32>,
    %swap3A_155 = vector.shape_cast %swap3A_154 : vector<16xf32> to vector<16xf32>
    %swap3A_156 = vector.shape_cast %mul3A_152 : vector<16xf32> to vector<16xf32>
    tpu.vector_store %arg8[%swap3A_153], %swap3A_156 {strides = array<i32>} : memref<1024xf32, #tpu.memory_space<vmem>>, vector<16xf32>,
    %get3A_157 = arith.constant 176 : index
    %get3A_158 = tpu.vector_load %arg6[%get3A_157] {strides = array<i32>} : memref<1024xf32, #tpu.memory_space<vmem>>, vector<16xf32>,
    %get3A_159 = vector.shape_cast %get3A_158 : vector<16xf32> to vector<16xf32>
    %add3A_160 = vector.broadcast %squeeze3A : f32 to vector<16xf32>
    %add3A_161 = arith.addf %get3A_159, %add3A_160 : vector<16xf32>
    %get3A_162 = arith.constant 176 : index
    %get3A_163 = tpu.vector_load %arg7[%get3A_162] {strides = array<i32>} : memref<1024xi32, #tpu.memory_space<vmem>>, vector<16xi32>,
    %get3A_164 = vector.shape_cast %get3A_163 : vector<16xi32> to vector<16xi32>
    %convert_element_type3A_165 = arith.sitofp %get3A_164 : vector<16xi32> to vector<16xf32>
    %mul3A_166 = arith.mulf %add3A_161, %convert_element_type3A_165 : vector<16xf32>
    %swap3A_167 = arith.constant 176 : index
    %swap3A_168 = tpu.vector_load %arg8[%swap3A_167] {strides = array<i32>} : memref<1024xf32, #tpu.memory_space<vmem>>, vector<16xf32>,
    %swap3A_169 = vector.shape_cast %swap3A_168 : vector<16xf32> to vector<16xf32>
    %swap3A_170 = vector.shape_cast %mul3A_166 : vector<16xf32> to vector<16xf32>
    tpu.vector_store %arg8[%swap3A_167], %swap3A_170 {strides = array<i32>} : memref<1024xf32, #tpu.memory_space<vmem>>, vector<16xf32>,
    %get3A_171 = arith.constant 192 : index
    %get3A_172 = tpu.vector_load %arg6[%get3A_171] {strides = array<i32>} : memref<1024xf32, #tpu.memory_space<vmem>>, vector<16xf32>,
    %get3A_173 = vector.shape_cast %get3A_172 : vector<16xf32> to vector<16xf32>
    %add3A_174 = vector.broadcast %squeeze3A : f32 to vector<16xf32>
    %add3A_175 = arith.addf %get3A_173, %add3A_174 : vector<16xf32>
    %get3A_176 = arith.constant 192 : index
    %get3A_177 = tpu.vector_load %arg7[%get3A_176] {strides = array<i32>} : memref<1024xi32, #tpu.memory_space<vmem>>, vector<16xi32>,
    %get3A_178 = vector.shape_cast %get3A_177 : vector<16xi32> to vector<16xi32>
    %convert_element_type3A_179 = arith.sitofp %get3A_178 : vector<16xi32> to vector<16xf32>
    %mul3A_180 = arith.mulf %add3A_175, %convert_element_type3A_179 : vector<16xf32>
    %swap3A_181 = arith.constant 192 : index
    %swap3A_182 = tpu.vector_load %arg8[%swap3A_181] {strides = array<i32>} : memref<1024xf32, #tpu.memory_space<vmem>>, vector<16xf32>,
    %swap3A_183 = vector.shape_cast %swap3A_182 : vector<16xf32> to vector<16xf32>
    %swap3A_184 = vector.shape_cast %mul3A_180 : vector<16xf32> to vector<16xf32>
    tpu.vector_store %arg8[%swap3A_181], %swap3A_184 {strides = array<i32>} : memref<1024xf32, #tpu.memory_space<vmem>>, vector<16xf32>,
    %get3A_185 = arith.constant 208 : index
    %get3A_186 = tpu.vector_load %arg6[%get3A_185] {strides = array<i32>} : memref<1024xf32, #tpu.memory_space<vmem>>, vector<16xf32>,
    %get3A_187 = vector.shape_cast %get3A_186 : vector<16xf32> to vector<16xf32>
    %add3A_188 = vector.broadcast %squeeze3A : f32 to vector<16xf32>
    %add3A_189 = arith.addf %get3A_187, %add3A_188 : vector<16xf32>
    %get3A_190 = arith.constant 208 : index
    %get3A_191 = tpu.vector_load %arg7[%get3A_190] {strides = array<i32>} : memref<1024xi32, #tpu.memory_space<vmem>>, vector<16xi32>,
    %get3A_192 = vector.shape_cast %get3A_191 : vector<16xi32> to vector<16xi32>
    %convert_element_type3A_193 = arith.sitofp %get3A_192 : vector<16xi32> to vector<16xf32>
    %mul3A_194 = arith.mulf %add3A_189, %convert_element_type3A_193 : vector<16xf32>
    %swap3A_195 = arith.constant 208 : index
    %swap3A_196 = tpu.vector_load %arg8[%swap3A_195] {strides = array<i32>} : memref<1024xf32, #tpu.memory_space<vmem>>, vector<16xf32>,
    %swap3A_197 = vector.shape_cast %swap3A_196 : vector<16xf32> to vector<16xf32>
    %swap3A_198 = vector.shape_cast %mul3A_194 : vector<16xf32> to vector<16xf32>
    tpu.vector_store %arg8[%swap3A_195], %swap3A_198 {strides = array<i32>} : memref<1024xf32, #tpu.memory_space<vmem>>, vector<16xf32>,
    %get3A_199 = arith.constant 224 : index
    %get3A_200 = tpu.vector_load %arg6[%get3A_199] {strides = array<i32>} : memref<1024xf32, #tpu.memory_space<vmem>>, vector<16xf32>,
    %get3A_201 = vector.shape_cast %get3A_200 : vector<16xf32> to vector<16xf32>
    %add3A_202 = vector.broadcast %squeeze3A : f32 to vector<16xf32>
    %add3A_203 = arith.addf %get3A_201, %add3A_202 : vector<16xf32>
    %get3A_204 = arith.constant 224 : index
    %get3A_205 = tpu.vector_load %arg7[%get3A_204] {strides = array<i32>} : memref<1024xi32, #tpu.memory_space<vmem>>, vector<16xi32>,
    %get3A_206 = vector.shape_cast %get3A_205 : vector<16xi32> to vector<16xi32>
    %convert_element_type3A_207 = arith.sitofp %get3A_206 : vector<16xi32> to vector<16xf32>
    %mul3A_208 = arith.mulf %add3A_203, %convert_element_type3A_207 : vector<16xf32>
    %swap3A_209 = arith.constant 224 : index
    %swap3A_210 = tpu.vector_load %arg8[%swap3A_209] {strides = array<i32>} : memref<1024xf32, #tpu.memory_space<vmem>>, vector<16xf32>,
    %swap3A_211 = vector.shape_cast %swap3A_210 : vector<16xf32> to vector<16xf32>
    %swap3A_212 = vector.shape_cast %mul3A_208 : vector<16xf32> to vector<16xf32>
    tpu.vector_store %arg8[%swap3A_209], %swap3A_212 {strides = array<i32>} : memref<1024xf32, #tpu.memory_space<vmem>>, vector<16xf32>,
    %get3A_213 = arith.constant 240 : index
    %get3A_214 = tpu.vector_load %arg6[%get3A_213] {strides = array<i32>} : memref<1024xf32, #tpu.memory_space<vmem>>, vector<16xf32>,
    %get3A_215 = vector.shape_cast %get3A_214 : vector<16xf32> to vector<16xf32>
    %add3A_216 = vector.broadcast %squeeze3A : f32 to vector<16xf32>
    %add3A_217 = arith.addf %get3A_215, %add3A_216 : vector<16xf32>
    %get3A_218 = arith.constant 240 : index
    %get3A_219 = tpu.vector_load %arg7[%get3A_218] {strides = array<i32>} : memref<1024xi32, #tpu.memory_space<vmem>>, vector<16xi32>,
    %get3A_220 = vector.shape_cast %get3A_219 : vector<16xi32> to vector<16xi32>
    %convert_element_type3A_221 = arith.sitofp %get3A_220 : vector<16xi32> to vector<16xf32>
    %mul3A_222 = arith.mulf %add3A_217, %convert_element_type3A_221 : vector<16xf32>
    %swap3A_223 = arith.constant 240 : index
    %swap3A_224 = tpu.vector_load %arg8[%swap3A_223] {strides = array<i32>} : memref<1024xf32, #tpu.memory_space<vmem>>, vector<16xf32>,
    %swap3A_225 = vector.shape_cast %swap3A_224 : vector<16xf32> to vector<16xf32>
    %swap3A_226 = vector.shape_cast %mul3A_222 : vector<16xf32> to vector<16xf32>
    tpu.vector_store %arg8[%swap3A_223], %swap3A_226 {strides = array<i32>} : memref<1024xf32, #tpu.memory_space<vmem>>, vector<16xf32>,
    %get3A_227 = arith.constant 256 : index
    %get3A_228 = tpu.vector_load %arg6[%get3A_227] {strides = array<i32>} : memref<1024xf32, #tpu.memory_space<vmem>>, vector<16xf32>,
    %get3A_229 = vector.shape_cast %get3A_228 : vector<16xf32> to vector<16xf32>
    %add3A_230 = vector.broadcast %squeeze3A : f32 to vector<16xf32>
    %add3A_231 = arith.addf %get3A_229, %add3A_230 : vector<16xf32>
    %get3A_232 = arith.constant 256 : index
    %get3A_233 = tpu.vector_load %arg7[%get3A_232] {strides = array<i32>} : memref<1024xi32, #tpu.memory_space<vmem>>, vector<16xi32>,
    %get3A_234 = vector.shape_cast %get3A_233 : vector<16xi32> to vector<16xi32>
    %convert_element_type3A_235 = arith.sitofp %get3A_234 : vector<16xi32> to vector<16xf32>
    %mul3A_236 = arith.mulf %add3A_231, %convert_element_type3A_235 : vector<16xf32>
    %swap3A_237 = arith.constant 256 : index
    %swap3A_238 = tpu.vector_load %arg8[%swap3A_237] {strides = array<i32>} : memref<1024xf32, #tpu.memory_space<vmem>>, vector<16xf32>,
    %swap3A_239 = vector.shape_cast %swap3A_238 : vector<16xf32> to vector<16xf32>
    %swap3A_240 = vector.shape_cast %mul3A_236 : vector<16xf32> to vector<16xf32>
    tpu.vector_store %arg8[%swap3A_237], %swap3A_240 {strides = array<i32>} : memref<1024xf32, #tpu.memory_space<vmem>>, vector<16xf32>,
    %get3A_241 = arith.constant 272 : index
    %get3A_242 = tpu.vector_load %arg6[%get3A_241] {strides = array<i32>} : memref<1024xf32, #tpu.memory_space<vmem>>, vector<16xf32>,
    %get3A_243 = vector.shape_cast %get3A_242 : vector<16xf32> to vector<16xf32>
    %add3A_244 = vector.broadcast %squeeze3A : f32 to vector<16xf32>
    %add3A_245 = arith.addf %get3A_243, %add3A_244 : vector<16xf32>
    %get3A_246 = arith.constant 272 : index
    %get3A_247 = tpu.vector_load %arg7[%get3A_246] {strides = array<i32>} : memref<1024xi32, #tpu.memory_space<vmem>>, vector<16xi32>,
    %get3A_248 = vector.shape_cast %get3A_247 : vector<16xi32> to vector<16xi32>
    %convert_element_type3A_249 = arith.sitofp %get3A_248 : vector<16xi32> to vector<16xf32>
    %mul3A_250 = arith.mulf %add3A_245, %convert_element_type3A_249 : vector<16xf32>
    %swap3A_251 = arith.constant 272 : index
    %swap3A_252 = tpu.vector_load %arg8[%swap3A_251] {strides = array<i32>} : memref<1024xf32, #tpu.memory_space<vmem>>, vector<16xf32>,
    %swap3A_253 = vector.shape_cast %swap3A_252 : vector<16xf32> to vector<16xf32>
    %swap3A_254 = vector.shape_cast %mul3A_250 : vector<16xf32> to vector<16xf32>
    tpu.vector_store %arg8[%swap3A_251], %swap3A_254 {strides = array<i32>} : memref<1024xf32, #tpu.memory_space<vmem>>, vector<16xf32>,
    %get3A_255 = arith.constant 288 : index
    %get3A_256 = tpu.vector_load %arg6[%get3A_255] {strides = array<i32>} : memref<1024xf32, #tpu.memory_space<vmem>>, vector<16xf32>,
    %get3A_257 = vector.shape_cast %get3A_256 : vector<16xf32> to vector<16xf32>
    %add3A_258 = vector.broadcast %squeeze3A : f32 to vector<16xf32>
    %add3A_259 = arith.addf %get3A_257, %add3A_258 : vector<16xf32>
    %get3A_260 = arith.constant 288 : index
    %get3A_261 = tpu.vector_load %arg7[%get3A_260] {strides = array<i32>} : memref<1024xi32, #tpu.memory_space<vmem>>, vector<16xi32>,
    %get3A_262 = vector.shape_cast %get3A_261 : vector<16xi32> to vector<16xi32>
    %convert_element_type3A_263 = arith.sitofp %get3A_262 : vector<16xi32> to vector<16xf32>
    %mul3A_264 = arith.mulf %add3A_259, %convert_element_type3A_263 : vector<16xf32>
    %swap3A_265 = arith.constant 288 : index
    %swap3A_266 = tpu.vector_load %arg8[%swap3A_265] {strides = array<i32>} : memref<1024xf32, #tpu.memory_space<vmem>>, vector<16xf32>,
    %swap3A_267 = vector.shape_cast %swap3A_266 : vector<16xf32> to vector<16xf32>
    %swap3A_268 = vector.shape_cast %mul3A_264 : vector<16xf32> to vector<16xf32>
    tpu.vector_store %arg8[%swap3A_265], %swap3A_268 {strides = array<i32>} : memref<1024xf32, #tpu.memory_space<vmem>>, vector<16xf32>,
    %get3A_269 = arith.constant 304 : index
    %get3A_270 = tpu.vector_load %arg6[%get3A_269] {strides = array<i32>} : memref<1024xf32, #tpu.memory_space<vmem>>, vector<16xf32>,
    %get3A_271 = vector.shape_cast %get3A_270 : vector<16xf32> to vector<16xf32>
    %add3A_272 = vector.broadcast %squeeze3A : f32 to vector<16xf32>
    %add3A_273 = arith.addf %get3A_271, %add3A_272 : vector<16xf32>
    %get3A_274 = arith.constant 304 : index
    %get3A_275 = tpu.vector_load %arg7[%get3A_274] {strides = array<i32>} : memref<1024xi32, #tpu.memory_space<vmem>>, vector<16xi32>,
    %get3A_276 = vector.shape_cast %get3A_275 : vector<16xi32> to vector<16xi32>
    %convert_element_type3A_277 = arith.sitofp %get3A_276 : vector<16xi32> to vector<16xf32>
    %mul3A_278 = arith.mulf %add3A_273, %convert_element_type3A_277 : vector<16xf32>
    %swap3A_279 = arith.constant 304 : index
    %swap3A_280 = tpu.vector_load %arg8[%swap3A_279] {strides = array<i32>} : memref<1024xf32, #tpu.memory_space<vmem>>, vector<16xf32>,
    %swap3A_281 = vector.shape_cast %swap3A_280 : vector<16xf32> to vector<16xf32>
    %swap3A_282 = vector.shape_cast %mul3A_278 : vector<16xf32> to vector<16xf32>
    tpu.vector_store %arg8[%swap3A_279], %swap3A_282 {strides = array<i32>} : memref<1024xf32, #tpu.memory_space<vmem>>, vector<16xf32>,
    %get3A_283 = arith.constant 320 : index
    %get3A_284 = tpu.vector_load %arg6[%get3A_283] {strides = array<i32>} : memref<1024xf32, #tpu.memory_space<vmem>>, vector<16xf32>,
    %get3A_285 = vector.shape_cast %get3A_284 : vector<16xf32> to vector<16xf32>
    %add3A_286 = vector.broadcast %squeeze3A : f32 to vector<16xf32>
    %add3A_287 = arith.addf %get3A_285, %add3A_286 : vector<16xf32>
    %get3A_288 = arith.constant 320 : index
    %get3A_289 = tpu.vector_load %arg7[%get3A_288] {strides = array<i32>} : memref<1024xi32, #tpu.memory_space<vmem>>, vector<16xi32>,
    %get3A_290 = vector.shape_cast %get3A_289 : vector<16xi32> to vector<16xi32>
    %convert_element_type3A_291 = arith.sitofp %get3A_290 : vector<16xi32> to vector<16xf32>
    %mul3A_292 = arith.mulf %add3A_287, %convert_element_type3A_291 : vector<16xf32>
    %swap3A_293 = arith.constant 320 : index
    %swap3A_294 = tpu.vector_load %arg8[%swap3A_293] {strides = array<i32>} : memref<1024xf32, #tpu.memory_space<vmem>>, vector<16xf32>,
    %swap3A_295 = vector.shape_cast %swap3A_294 : vector<16xf32> to vector<16xf32>
    %swap3A_296 = vector.shape_cast %mul3A_292 : vector<16xf32> to vector<16xf32>
    tpu.vector_store %arg8[%swap3A_293], %swap3A_296 {strides = array<i32>} : memref<1024xf32, #tpu.memory_space<vmem>>, vector<16xf32>,
    %get3A_297 = arith.constant 336 : index
    %get3A_298 = tpu.vector_load %arg6[%get3A_297] {strides = array<i32>} : memref<1024xf32, #tpu.memory_space<vmem>>, vector<16xf32>,
    %get3A_299 = vector.shape_cast %get3A_298 : vector<16xf32> to vector<16xf32>
    %add3A_300 = vector.broadcast %squeeze3A : f32 to vector<16xf32>
    %add3A_301 = arith.addf %get3A_299, %add3A_300 : vector<16xf32>
    %get3A_302 = arith.constant 336 : index
    %get3A_303 = tpu.vector_load %arg7[%get3A_302] {strides = array<i32>} : memref<1024xi32, #tpu.memory_space<vmem>>, vector<16xi32>,
    %get3A_304 = vector.shape_cast %get3A_303 : vector<16xi32> to vector<16xi32>
    %convert_element_type3A_305 = arith.sitofp %get3A_304 : vector<16xi32> to vector<16xf32>
    %mul3A_306 = arith.mulf %add3A_301, %convert_element_type3A_305 : vector<16xf32>
    %swap3A_307 = arith.constant 336 : index
    %swap3A_308 = tpu.vector_load %arg8[%swap3A_307] {strides = array<i32>} : memref<1024xf32, #tpu.memory_space<vmem>>, vector<16xf32>,
    %swap3A_309 = vector.shape_cast %swap3A_308 : vector<16xf32> to vector<16xf32>
    %swap3A_310 = vector.shape_cast %mul3A_306 : vector<16xf32> to vector<16xf32>
    tpu.vector_store %arg8[%swap3A_307], %swap3A_310 {strides = array<i32>} : memref<1024xf32, #tpu.memory_space<vmem>>, vector<16xf32>,
    %get3A_311 = arith.constant 352 : index
    %get3A_312 = tpu.vector_load %arg6[%get3A_311] {strides = array<i32>} : memref<1024xf32, #tpu.memory_space<vmem>>, vector<16xf32>,
    %get3A_313 = vector.shape_cast %get3A_312 : vector<16xf32> to vector<16xf32>
    %add3A_314 = vector.broadcast %squeeze3A : f32 to vector<16xf32>
    %add3A_315 = arith.addf %get3A_313, %add3A_314 : vector<16xf32>
    %get3A_316 = arith.constant 352 : index
    %get3A_317 = tpu.vector_load %arg7[%get3A_316] {strides = array<i32>} : memref<1024xi32, #tpu.memory_space<vmem>>, vector<16xi32>,
    %get3A_318 = vector.shape_cast %get3A_317 : vector<16xi32> to vector<16xi32>
    %convert_element_type3A_319 = arith.sitofp %get3A_318 : vector<16xi32> to vector<16xf32>
    %mul3A_320 = arith.mulf %add3A_315, %convert_element_type3A_319 : vector<16xf32>
    %swap3A_321 = arith.constant 352 : index
    %swap3A_322 = tpu.vector_load %arg8[%swap3A_321] {strides = array<i32>} : memref<1024xf32, #tpu.memory_space<vmem>>, vector<16xf32>,
    %swap3A_323 = vector.shape_cast %swap3A_322 : vector<16xf32> to vector<16xf32>
    %swap3A_324 = vector.shape_cast %mul3A_320 : vector<16xf32> to vector<16xf32>
    tpu.vector_store %arg8[%swap3A_321], %swap3A_324 {strides = array<i32>} : memref<1024xf32, #tpu.memory_space<vmem>>, vector<16xf32>,
    %get3A_325 = arith.constant 368 : index
    %get3A_326 = tpu.vector_load %arg6[%get3A_325] {strides = array<i32>} : memref<1024xf32, #tpu.memory_space<vmem>>, vector<16xf32>,
    %get3A_327 = vector.shape_cast %get3A_326 : vector<16xf32> to vector<16xf32>
    %add3A_328 = vector.broadcast %squeeze3A : f32 to vector<16xf32>
    %add3A_329 = arith.addf %get3A_327, %add3A_328 : vector<16xf32>
    %get3A_330 = arith.constant 368 : index
    %get3A_331 = tpu.vector_load %arg7[%get3A_330] {strides = array<i32>} : memref<1024xi32, #tpu.memory_space<vmem>>, vector<16xi32>,
    %get3A_332 = vector.shape_cast %get3A_331 : vector<16xi32> to vector<16xi32>
    %convert_element_type3A_333 = arith.sitofp %get3A_332 : vector<16xi32> to vector<16xf32>
    %mul3A_334 = arith.mulf %add3A_329, %convert_element_type3A_333 : vector<16xf32>
    %swap3A_335 = arith.constant 368 : index
    %swap3A_336 = tpu.vector_load %arg8[%swap3A_335] {strides = array<i32>} : memref<1024xf32, #tpu.memory_space<vmem>>, vector<16xf32>,
    %swap3A_337 = vector.shape_cast %swap3A_336 : vector<16xf32> to vector<16xf32>
    %swap3A_338 = vector.shape_cast %mul3A_334 : vector<16xf32> to vector<16xf32>
    tpu.vector_store %arg8[%swap3A_335], %swap3A_338 {strides = array<i32>} : memref<1024xf32, #tpu.memory_space<vmem>>, vector<16xf32>,
    %get3A_339 = arith.constant 384 : index
    %get3A_340 = tpu.vector_load %arg6[%get3A_339] {strides = array<i32>} : memref<1024xf32, #tpu.memory_space<vmem>>, vector<16xf32>,
    %get3A_341 = vector.shape_cast %get3A_340 : vector<16xf32> to vector<16xf32>
    %add3A_342 = vector.broadcast %squeeze3A : f32 to vector<16xf32>
    %add3A_343 = arith.addf %get3A_341, %add3A_342 : vector<16xf32>
    %get3A_344 = arith.constant 384 : index
    %get3A_345 = tpu.vector_load %arg7[%get3A_344] {strides = array<i32>} : memref<1024xi32, #tpu.memory_space<vmem>>, vector<16xi32>,
    %get3A_346 = vector.shape_cast %get3A_345 : vector<16xi32> to vector<16xi32>
    %convert_element_type3A_347 = arith.sitofp %get3A_346 : vector<16xi32> to vector<16xf32>
    %mul3A_348 = arith.mulf %add3A_343, %convert_element_type3A_347 : vector<16xf32>
    %swap3A_349 = arith.constant 384 : index
    %swap3A_350 = tpu.vector_load %arg8[%swap3A_349] {strides = array<i32>} : memref<1024xf32, #tpu.memory_space<vmem>>, vector<16xf32>,
    %swap3A_351 = vector.shape_cast %swap3A_350 : vector<16xf32> to vector<16xf32>
    %swap3A_352 = vector.shape_cast %mul3A_348 : vector<16xf32> to vector<16xf32>
    tpu.vector_store %arg8[%swap3A_349], %swap3A_352 {strides = array<i32>} : memref<1024xf32, #tpu.memory_space<vmem>>, vector<16xf32>,
    %get3A_353 = arith.constant 400 : index
    %get3A_354 = tpu.vector_load %arg6[%get3A_353] {strides = array<i32>} : memref<1024xf32, #tpu.memory_space<vmem>>, vector<16xf32>,
    %get3A_355 = vector.shape_cast %get3A_354 : vector<16xf32> to vector<16xf32>
    %add3A_356 = vector.broadcast %squeeze3A : f32 to vector<16xf32>
    %add3A_357 = arith.addf %get3A_355, %add3A_356 : vector<16xf32>
    %get3A_358 = arith.constant 400 : index
    %get3A_359 = tpu.vector_load %arg7[%get3A_358] {strides = array<i32>} : memref<1024xi32, #tpu.memory_space<vmem>>, vector<16xi32>,
    %get3A_360 = vector.shape_cast %get3A_359 : vector<16xi32> to vector<16xi32>
    %convert_element_type3A_361 = arith.sitofp %get3A_360 : vector<16xi32> to vector<16xf32>
    %mul3A_362 = arith.mulf %add3A_357, %convert_element_type3A_361 : vector<16xf32>
    %swap3A_363 = arith.constant 400 : index
    %swap3A_364 = tpu.vector_load %arg8[%swap3A_363] {strides = array<i32>} : memref<1024xf32, #tpu.memory_space<vmem>>, vector<16xf32>,
    %swap3A_365 = vector.shape_cast %swap3A_364 : vector<16xf32> to vector<16xf32>
    %swap3A_366 = vector.shape_cast %mul3A_362 : vector<16xf32> to vector<16xf32>
    tpu.vector_store %arg8[%swap3A_363], %swap3A_366 {strides = array<i32>} : memref<1024xf32, #tpu.memory_space<vmem>>, vector<16xf32>,
    %get3A_367 = arith.constant 416 : index
    %get3A_368 = tpu.vector_load %arg6[%get3A_367] {strides = array<i32>} : memref<1024xf32, #tpu.memory_space<vmem>>, vector<16xf32>,
    %get3A_369 = vector.shape_cast %get3A_368 : vector<16xf32> to vector<16xf32>
    %add3A_370 = vector.broadcast %squeeze3A : f32 to vector<16xf32>
    %add3A_371 = arith.addf %get3A_369, %add3A_370 : vector<16xf32>
    %get3A_372 = arith.constant 416 : index
    %get3A_373 = tpu.vector_load %arg7[%get3A_372] {strides = array<i32>} : memref<1024xi32, #tpu.memory_space<vmem>>, vector<16xi32>,
    %get3A_374 = vector.shape_cast %get3A_373 : vector<16xi32> to vector<16xi32>
    %convert_element_type3A_375 = arith.sitofp %get3A_374 : vector<16xi32> to vector<16xf32>
    %mul3A_376 = arith.mulf %add3A_371, %convert_element_type3A_375 : vector<16xf32>
    %swap3A_377 = arith.constant 416 : index
    %swap3A_378 = tpu.vector_load %arg8[%swap3A_377] {strides = array<i32>} : memref<1024xf32, #tpu.memory_space<vmem>>, vector<16xf32>,
    %swap3A_379 = vector.shape_cast %swap3A_378 : vector<16xf32> to vector<16xf32>
    %swap3A_380 = vector.shape_cast %mul3A_376 : vector<16xf32> to vector<16xf32>
    tpu.vector_store %arg8[%swap3A_377], %swap3A_380 {strides = array<i32>} : memref<1024xf32, #tpu.memory_space<vmem>>, vector<16xf32>,
    %get3A_381 = arith.constant 432 : index
    %get3A_382 = tpu.vector_load %arg6[%get3A_381] {strides = array<i32>} : memref<1024xf32, #tpu.memory_space<vmem>>, vector<16xf32>,
    %get3A_383 = vector.shape_cast %get3A_382 : vector<16xf32> to vector<16xf32>
    %add3A_384 = vector.broadcast %squeeze3A : f32 to vector<16xf32>
    %add3A_385 = arith.addf %get3A_383, %add3A_384 : vector<16xf32>
    %get3A_386 = arith.constant 432 : index
    %get3A_387 = tpu.vector_load %arg7[%get3A_386] {strides = array<i32>} : memref<1024xi32, #tpu.memory_space<vmem>>, vector<16xi32>,
    %get3A_388 = vector.shape_cast %get3A_387 : vector<16xi32> to vector<16xi32>
    %convert_element_type3A_389 = arith.sitofp %get3A_388 : vector<16xi32> to vector<16xf32>
    %mul3A_390 = arith.mulf %add3A_385, %convert_element_type3A_389 : vector<16xf32>
    %swap3A_391 = arith.constant 432 : index
    %swap3A_392 = tpu.vector_load %arg8[%swap3A_391] {strides = array<i32>} : memref<1024xf32, #tpu.memory_space<vmem>>, vector<16xf32>,
    %swap3A_393 = vector.shape_cast %swap3A_392 : vector<16xf32> to vector<16xf32>
    %swap3A_394 = vector.shape_cast %mul3A_390 : vector<16xf32> to vector<16xf32>
    tpu.vector_store %arg8[%swap3A_391], %swap3A_394 {strides = array<i32>} : memref<1024xf32, #tpu.memory_space<vmem>>, vector<16xf32>,
    %get3A_395 = arith.constant 448 : index
    %get3A_396 = tpu.vector_load %arg6[%get3A_395] {strides = array<i32>} : memref<1024xf32, #tpu.memory_space<vmem>>, vector<16xf32>,
    %get3A_397 = vector.shape_cast %get3A_396 : vector<16xf32> to vector<16xf32>
    %add3A_398 = vector.broadcast %squeeze3A : f32 to vector<16xf32>
    %add3A_399 = arith.addf %get3A_397, %add3A_398 : vector<16xf32>
    %get3A_400 = arith.constant 448 : index
    %get3A_401 = tpu.vector_load %arg7[%get3A_400] {strides = array<i32>} : memref<1024xi32, #tpu.memory_space<vmem>>, vector<16xi32>,
    %get3A_402 = vector.shape_cast %get3A_401 : vector<16xi32> to vector<16xi32>
    %convert_element_type3A_403 = arith.sitofp %get3A_402 : vector<16xi32> to vector<16xf32>
    %mul3A_404 = arith.mulf %add3A_399, %convert_element_type3A_403 : vector<16xf32>
    %swap3A_405 = arith.constant 448 : index
    %swap3A_406 = tpu.vector_load %arg8[%swap3A_405] {strides = array<i32>} : memref<1024xf32, #tpu.memory_space<vmem>>, vector<16xf32>,
    %swap3A_407 = vector.shape_cast %swap3A_406 : vector<16xf32> to vector<16xf32>
    %swap3A_408 = vector.shape_cast %mul3A_404 : vector<16xf32> to vector<16xf32>
    tpu.vector_store %arg8[%swap3A_405], %swap3A_408 {strides = array<i32>} : memref<1024xf32, #tpu.memory_space<vmem>>, vector<16xf32>,
    %get3A_409 = arith.constant 464 : index
    %get3A_410 = tpu.vector_load %arg6[%get3A_409] {strides = array<i32>} : memref<1024xf32, #tpu.memory_space<vmem>>, vector<16xf32>,
    %get3A_411 = vector.shape_cast %get3A_410 : vector<16xf32> to vector<16xf32>
    %add3A_412 = vector.broadcast %squeeze3A : f32 to vector<16xf32>
    %add3A_413 = arith.addf %get3A_411, %add3A_412 : vector<16xf32>
    %get3A_414 = arith.constant 464 : index
    %get3A_415 = tpu.vector_load %arg7[%get3A_414] {strides = array<i32>} : memref<1024xi32, #tpu.memory_space<vmem>>, vector<16xi32>,
    %get3A_416 = vector.shape_cast %get3A_415 : vector<16xi32> to vector<16xi32>
    %convert_element_type3A_417 = arith.sitofp %get3A_416 : vector<16xi32> to vector<16xf32>
    %mul3A_418 = arith.mulf %add3A_413, %convert_element_type3A_417 : vector<16xf32>
    %swap3A_419 = arith.constant 464 : index
    %swap3A_420 = tpu.vector_load %arg8[%swap3A_419] {strides = array<i32>} : memref<1024xf32, #tpu.memory_space<vmem>>, vector<16xf32>,
    %swap3A_421 = vector.shape_cast %swap3A_420 : vector<16xf32> to vector<16xf32>
    %swap3A_422 = vector.shape_cast %mul3A_418 : vector<16xf32> to vector<16xf32>
    tpu.vector_store %arg8[%swap3A_419], %swap3A_422 {strides = array<i32>} : memref<1024xf32, #tpu.memory_space<vmem>>, vector<16xf32>,
    %get3A_423 = arith.constant 480 : index
    %get3A_424 = tpu.vector_load %arg6[%get3A_423] {strides = array<i32>} : memref<1024xf32, #tpu.memory_space<vmem>>, vector<16xf32>,
    %get3A_425 = vector.shape_cast %get3A_424 : vector<16xf32> to vector<16xf32>
    %add3A_426 = vector.broadcast %squeeze3A : f32 to vector<16xf32>
    %add3A_427 = arith.addf %get3A_425, %add3A_426 : vector<16xf32>
    %get3A_428 = arith.constant 480 : index
    %get3A_429 = tpu.vector_load %arg7[%get3A_428] {strides = array<i32>} : memref<1024xi32, #tpu.memory_space<vmem>>, vector<16xi32>,
    %get3A_430 = vector.shape_cast %get3A_429 : vector<16xi32> to vector<16xi32>
    %convert_element_type3A_431 = arith.sitofp %get3A_430 : vector<16xi32> to vector<16xf32>
    %mul3A_432 = arith.mulf %add3A_427, %convert_element_type3A_431 : vector<16xf32>
    %swap3A_433 = arith.constant 480 : index
    %swap3A_434 = tpu.vector_load %arg8[%swap3A_433] {strides = array<i32>} : memref<1024xf32, #tpu.memory_space<vmem>>, vector<16xf32>,
    %swap3A_435 = vector.shape_cast %swap3A_434 : vector<16xf32> to vector<16xf32>
    %swap3A_436 = vector.shape_cast %mul3A_432 : vector<16xf32> to vector<16xf32>
    tpu.vector_store %arg8[%swap3A_433], %swap3A_436 {strides = array<i32>} : memref<1024xf32, #tpu.memory_space<vmem>>, vector<16xf32>,
    %get3A_437 = arith.constant 496 : index
    %get3A_438 = tpu.vector_load %arg6[%get3A_437] {strides = array<i32>} : memref<1024xf32, #tpu.memory_space<vmem>>, vector<16xf32>,
    %get3A_439 = vector.shape_cast %get3A_438 : vector<16xf32> to vector<16xf32>
    %add3A_440 = vector.broadcast %squeeze3A : f32 to vector<16xf32>
    %add3A_441 = arith.addf %get3A_439, %add3A_440 : vector<16xf32>
    %get3A_442 = arith.constant 496 : index
    %get3A_443 = tpu.vector_load %arg7[%get3A_442] {strides = array<i32>} : memref<1024xi32, #tpu.memory_space<vmem>>, vector<16xi32>,
    %get3A_444 = vector.shape_cast %get3A_443 : vector<16xi32> to vector<16xi32>
    %convert_element_type3A_445 = arith.sitofp %get3A_444 : vector<16xi32> to vector<16xf32>
    %mul3A_446 = arith.mulf %add3A_441, %convert_element_type3A_445 : vector<16xf32>
    %swap3A_447 = arith.constant 496 : index
    %swap3A_448 = tpu.vector_load %arg8[%swap3A_447] {strides = array<i32>} : memref<1024xf32, #tpu.memory_space<vmem>>, vector<16xf32>,
    %swap3A_449 = vector.shape_cast %swap3A_448 : vector<16xf32> to vector<16xf32>
    %swap3A_450 = vector.shape_cast %mul3A_446 : vector<16xf32> to vector<16xf32>
    tpu.vector_store %arg8[%swap3A_447], %swap3A_450 {strides = array<i32>} : memref<1024xf32, #tpu.memory_space<vmem>>, vector<16xf32>,
    %get3A_451 = arith.constant 512 : index
    %get3A_452 = tpu.vector_load %arg6[%get3A_451] {strides = array<i32>} : memref<1024xf32, #tpu.memory_space<vmem>>, vector<16xf32>,
    %get3A_453 = vector.shape_cast %get3A_452 : vector<16xf32> to vector<16xf32>
    %add3A_454 = vector.broadcast %squeeze3A : f32 to vector<16xf32>
    %add3A_455 = arith.addf %get3A_453, %add3A_454 : vector<16xf32>
    %get3A_456 = arith.constant 512 : index
    %get3A_457 = tpu.vector_load %arg7[%get3A_456] {strides = array<i32>} : memref<1024xi32, #tpu.memory_space<vmem>>, vector<16xi32>,
    %get3A_458 = vector.shape_cast %get3A_457 : vector<16xi32> to vector<16xi32>
    %convert_element_type3A_459 = arith.sitofp %get3A_458 : vector<16xi32> to vector<16xf32>
    %mul3A_460 = arith.mulf %add3A_455, %convert_element_type3A_459 : vector<16xf32>
    %swap3A_461 = arith.constant 512 : index
    %swap3A_462 = tpu.vector_load %arg8[%swap3A_461] {strides = array<i32>} : memref<1024xf32, #tpu.memory_space<vmem>>, vector<16xf32>,
    %swap3A_463 = vector.shape_cast %swap3A_462 : vector<16xf32> to vector<16xf32>
    %swap3A_464 = vector.shape_cast %mul3A_460 : vector<16xf32> to vector<16xf32>
    tpu.vector_store %arg8[%swap3A_461], %swap3A_464 {strides = array<i32>} : memref<1024xf32, #tpu.memory_space<vmem>>, vector<16xf32>,
    %get3A_465 = arith.constant 528 : index
    %get3A_466 = tpu.vector_load %arg6[%get3A_465] {strides = array<i32>} : memref<1024xf32, #tpu.memory_space<vmem>>, vector<16xf32>,
    %get3A_467 = vector.shape_cast %get3A_466 : vector<16xf32> to vector<16xf32>
    %add3A_468 = vector.broadcast %squeeze3A : f32 to vector<16xf32>
    %add3A_469 = arith.addf %get3A_467, %add3A_468 : vector<16xf32>
    %get3A_470 = arith.constant 528 : index
    %get3A_471 = tpu.vector_load %arg7[%get3A_470] {strides = array<i32>} : memref<1024xi32, #tpu.memory_space<vmem>>, vector<16xi32>,
    %get3A_472 = vector.shape_cast %get3A_471 : vector<16xi32> to vector<16xi32>
    %convert_element_type3A_473 = arith.sitofp %get3A_472 : vector<16xi32> to vector<16xf32>
    %mul3A_474 = arith.mulf %add3A_469, %convert_element_type3A_473 : vector<16xf32>
    %swap3A_475 = arith.constant 528 : index
    %swap3A_476 = tpu.vector_load %arg8[%swap3A_475] {strides = array<i32>} : memref<1024xf32, #tpu.memory_space<vmem>>, vector<16xf32>,
    %swap3A_477 = vector.shape_cast %swap3A_476 : vector<16xf32> to vector<16xf32>
    %swap3A_478 = vector.shape_cast %mul3A_474 : vector<16xf32> to vector<16xf32>
    tpu.vector_store %arg8[%swap3A_475], %swap3A_478 {strides = array<i32>} : memref<1024xf32, #tpu.memory_space<vmem>>, vector<16xf32>,
    %get3A_479 = arith.constant 544 : index
    %get3A_480 = tpu.vector_load %arg6[%get3A_479] {strides = array<i32>} : memref<1024xf32, #tpu.memory_space<vmem>>, vector<16xf32>,
    %get3A_481 = vector.shape_cast %get3A_480 : vector<16xf32> to vector<16xf32>
    %add3A_482 = vector.broadcast %squeeze3A : f32 to vector<16xf32>
    %add3A_483 = arith.addf %get3A_481, %add3A_482 : vector<16xf32>
    %get3A_484 = arith.constant 544 : index
    %get3A_485 = tpu.vector_load %arg7[%get3A_484] {strides = array<i32>} : memref<1024xi32, #tpu.memory_space<vmem>>, vector<16xi32>,
    %get3A_486 = vector.shape_cast %get3A_485 : vector<16xi32> to vector<16xi32>
    %convert_element_type3A_487 = arith.sitofp %get3A_486 : vector<16xi32> to vector<16xf32>
    %mul3A_488 = arith.mulf %add3A_483, %convert_element_type3A_487 : vector<16xf32>
    %swap3A_489 = arith.constant 544 : index
    %swap3A_490 = tpu.vector_load %arg8[%swap3A_489] {strides = array<i32>} : memref<1024xf32, #tpu.memory_space<vmem>>, vector<16xf32>,
    %swap3A_491 = vector.shape_cast %swap3A_490 : vector<16xf32> to vector<16xf32>
    %swap3A_492 = vector.shape_cast %mul3A_488 : vector<16xf32> to vector<16xf32>
    tpu.vector_store %arg8[%swap3A_489], %swap3A_492 {strides = array<i32>} : memref<1024xf32, #tpu.memory_space<vmem>>, vector<16xf32>,
    %get3A_493 = arith.constant 560 : index
    %get3A_494 = tpu.vector_load %arg6[%get3A_493] {strides = array<i32>} : memref<1024xf32, #tpu.memory_space<vmem>>, vector<16xf32>,
    %get3A_495 = vector.shape_cast %get3A_494 : vector<16xf32> to vector<16xf32>
    %add3A_496 = vector.broadcast %squeeze3A : f32 to vector<16xf32>
    %add3A_497 = arith.addf %get3A_495, %add3A_496 : vector<16xf32>
    %get3A_498 = arith.constant 560 : index
    %get3A_499 = tpu.vector_load %arg7[%get3A_498] {strides = array<i32>} : memref<1024xi32, #tpu.memory_space<vmem>>, vector<16xi32>,
    %get3A_500 = vector.shape_cast %get3A_499 : vector<16xi32> to vector<16xi32>
    %convert_element_type3A_501 = arith.sitofp %get3A_500 : vector<16xi32> to vector<16xf32>
    %mul3A_502 = arith.mulf %add3A_497, %convert_element_type3A_501 : vector<16xf32>
    %swap3A_503 = arith.constant 560 : index
    %swap3A_504 = tpu.vector_load %arg8[%swap3A_503] {strides = array<i32>} : memref<1024xf32, #tpu.memory_space<vmem>>, vector<16xf32>,
    %swap3A_505 = vector.shape_cast %swap3A_504 : vector<16xf32> to vector<16xf32>
    %swap3A_506 = vector.shape_cast %mul3A_502 : vector<16xf32> to vector<16xf32>
    tpu.vector_store %arg8[%swap3A_503], %swap3A_506 {strides = array<i32>} : memref<1024xf32, #tpu.memory_space<vmem>>, vector<16xf32>,
    %get3A_507 = arith.constant 576 : index
    %get3A_508 = tpu.vector_load %arg6[%get3A_507] {strides = array<i32>} : memref<1024xf32, #tpu.memory_space<vmem>>, vector<16xf32>,
    %get3A_509 = vector.shape_cast %get3A_508 : vector<16xf32> to vector<16xf32>
    %add3A_510 = vector.broadcast %squeeze3A : f32 to vector<16xf32>
    %add3A_511 = arith.addf %get3A_509, %add3A_510 : vector<16xf32>
    %get3A_512 = arith.constant 576 : index
    %get3A_513 = tpu.vector_load %arg7[%get3A_512] {strides = array<i32>} : memref<1024xi32, #tpu.memory_space<vmem>>, vector<16xi32>,
    %get3A_514 = vector.shape_cast %get3A_513 : vector<16xi32> to vector<16xi32>
    %convert_element_type3A_515 = arith.sitofp %get3A_514 : vector<16xi32> to vector<16xf32>
    %mul3A_516 = arith.mulf %add3A_511, %convert_element_type3A_515 : vector<16xf32>
    %swap3A_517 = arith.constant 576 : index
    %swap3A_518 = tpu.vector_load %arg8[%swap3A_517] {strides = array<i32>} : memref<1024xf32, #tpu.memory_space<vmem>>, vector<16xf32>,
    %swap3A_519 = vector.shape_cast %swap3A_518 : vector<16xf32> to vector<16xf32>
    %swap3A_520 = vector.shape_cast %mul3A_516 : vector<16xf32> to vector<16xf32>
    tpu.vector_store %arg8[%swap3A_517], %swap3A_520 {strides = array<i32>} : memref<1024xf32, #tpu.memory_space<vmem>>, vector<16xf32>,
    %get3A_521 = arith.constant 592 : index
    %get3A_522 = tpu.vector_load %arg6[%get3A_521] {strides = array<i32>} : memref<1024xf32, #tpu.memory_space<vmem>>, vector<16xf32>,
    %get3A_523 = vector.shape_cast %get3A_522 : vector<16xf32> to vector<16xf32>
    %add3A_524 = vector.broadcast %squeeze3A : f32 to vector<16xf32>
    %add3A_525 = arith.addf %get3A_523, %add3A_524 : vector<16xf32>
    %get3A_526 = arith.constant 592 : index
    %get3A_527 = tpu.vector_load %arg7[%get3A_526] {strides = array<i32>} : memref<1024xi32, #tpu.memory_space<vmem>>, vector<16xi32>,
    %get3A_528 = vector.shape_cast %get3A_527 : vector<16xi32> to vector<16xi32>
    %convert_element_type3A_529 = arith.sitofp %get3A_528 : vector<16xi32> to vector<16xf32>
    %mul3A_530 = arith.mulf %add3A_525, %convert_element_type3A_529 : vector<16xf32>
    %swap3A_531 = arith.constant 592 : index
    %swap3A_532 = tpu.vector_load %arg8[%swap3A_531] {strides = array<i32>} : memref<1024xf32, #tpu.memory_space<vmem>>, vector<16xf32>,
    %swap3A_533 = vector.shape_cast %swap3A_532 : vector<16xf32> to vector<16xf32>
    %swap3A_534 = vector.shape_cast %mul3A_530 : vector<16xf32> to vector<16xf32>
    tpu.vector_store %arg8[%swap3A_531], %swap3A_534 {strides = array<i32>} : memref<1024xf32, #tpu.memory_space<vmem>>, vector<16xf32>,
    %get3A_535 = arith.constant 608 : index
    %get3A_536 = tpu.vector_load %arg6[%get3A_535] {strides = array<i32>} : memref<1024xf32, #tpu.memory_space<vmem>>, vector<16xf32>,
    %get3A_537 = vector.shape_cast %get3A_536 : vector<16xf32> to vector<16xf32>
    %add3A_538 = vector.broadcast %squeeze3A : f32 to vector<16xf32>
    %add3A_539 = arith.addf %get3A_537, %add3A_538 : vector<16xf32>
    %get3A_540 = arith.constant 608 : index
    %get3A_541 = tpu.vector_load %arg7[%get3A_540] {strides = array<i32>} : memref<1024xi32, #tpu.memory_space<vmem>>, vector<16xi32>,
    %get3A_542 = vector.shape_cast %get3A_541 : vector<16xi32> to vector<16xi32>
    %convert_element_type3A_543 = arith.sitofp %get3A_542 : vector<16xi32> to vector<16xf32>
    %mul3A_544 = arith.mulf %add3A_539, %convert_element_type3A_543 : vector<16xf32>
    %swap3A_545 = arith.constant 608 : index
    %swap3A_546 = tpu.vector_load %arg8[%swap3A_545] {strides = array<i32>} : memref<1024xf32, #tpu.memory_space<vmem>>, vector<16xf32>,
    %swap3A_547 = vector.shape_cast %swap3A_546 : vector<16xf32> to vector<16xf32>
    %swap3A_548 = vector.shape_cast %mul3A_544 : vector<16xf32> to vector<16xf32>
    tpu.vector_store %arg8[%swap3A_545], %swap3A_548 {strides = array<i32>} : memref<1024xf32, #tpu.memory_space<vmem>>, vector<16xf32>,
    %get3A_549 = arith.constant 624 : index
    %get3A_550 = tpu.vector_load %arg6[%get3A_549] {strides = array<i32>} : memref<1024xf32, #tpu.memory_space<vmem>>, vector<16xf32>,
    %get3A_551 = vector.shape_cast %get3A_550 : vector<16xf32> to vector<16xf32>
    %add3A_552 = vector.broadcast %squeeze3A : f32 to vector<16xf32>
    %add3A_553 = arith.addf %get3A_551, %add3A_552 : vector<16xf32>
    %get3A_554 = arith.constant 624 : index
    %get3A_555 = tpu.vector_load %arg7[%get3A_554] {strides = array<i32>} : memref<1024xi32, #tpu.memory_space<vmem>>, vector<16xi32>,
    %get3A_556 = vector.shape_cast %get3A_555 : vector<16xi32> to vector<16xi32>
    %convert_element_type3A_557 = arith.sitofp %get3A_556 : vector<16xi32> to vector<16xf32>
    %mul3A_558 = arith.mulf %add3A_553, %convert_element_type3A_557 : vector<16xf32>
    %swap3A_559 = arith.constant 624 : index
    %swap3A_560 = tpu.vector_load %arg8[%swap3A_559] {strides = array<i32>} : memref<1024xf32, #tpu.memory_space<vmem>>, vector<16xf32>,
    %swap3A_561 = vector.shape_cast %swap3A_560 : vector<16xf32> to vector<16xf32>
    %swap3A_562 = vector.shape_cast %mul3A_558 : vector<16xf32> to vector<16xf32>
    tpu.vector_store %arg8[%swap3A_559], %swap3A_562 {strides = array<i32>} : memref<1024xf32, #tpu.memory_space<vmem>>, vector<16xf32>,
    %get3A_563 = arith.constant 640 : index
    %get3A_564 = tpu.vector_load %arg6[%get3A_563] {strides = array<i32>} : memref<1024xf32, #tpu.memory_space<vmem>>, vector<16xf32>,
    %get3A_565 = vector.shape_cast %get3A_564 : vector<16xf32> to vector<16xf32>
    %add3A_566 = vector.broadcast %squeeze3A : f32 to vector<16xf32>
    %add3A_567 = arith.addf %get3A_565, %add3A_566 : vector<16xf32>
    %get3A_568 = arith.constant 640 : index
    %get3A_569 = tpu.vector_load %arg7[%get3A_568] {strides = array<i32>} : memref<1024xi32, #tpu.memory_space<vmem>>, vector<16xi32>,
    %get3A_570 = vector.shape_cast %get3A_569 : vector<16xi32> to vector<16xi32>
    %convert_element_type3A_571 = arith.sitofp %get3A_570 : vector<16xi32> to vector<16xf32>
    %mul3A_572 = arith.mulf %add3A_567, %convert_element_type3A_571 : vector<16xf32>
    %swap3A_573 = arith.constant 640 : index
    %swap3A_574 = tpu.vector_load %arg8[%swap3A_573] {strides = array<i32>} : memref<1024xf32, #tpu.memory_space<vmem>>, vector<16xf32>,
    %swap3A_575 = vector.shape_cast %swap3A_574 : vector<16xf32> to vector<16xf32>
    %swap3A_576 = vector.shape_cast %mul3A_572 : vector<16xf32> to vector<16xf32>
    tpu.vector_store %arg8[%swap3A_573], %swap3A_576 {strides = array<i32>} : memref<1024xf32, #tpu.memory_space<vmem>>, vector<16xf32>,
    %get3A_577 = arith.constant 656 : index
    %get3A_578 = tpu.vector_load %arg6[%get3A_577] {strides = array<i32>} : memref<1024xf32, #tpu.memory_space<vmem>>, vector<16xf32>,
    %get3A_579 = vector.shape_cast %get3A_578 : vector<16xf32> to vector<16xf32>
    %add3A_580 = vector.broadcast %squeeze3A : f32 to vector<16xf32>
    %add3A_581 = arith.addf %get3A_579, %add3A_580 : vector<16xf32>
    %get3A_582 = arith.constant 656 : index
    %get3A_583 = tpu.vector_load %arg7[%get3A_582] {strides = array<i32>} : memref<1024xi32, #tpu.memory_space<vmem>>, vector<16xi32>,
    %get3A_584 = vector.shape_cast %get3A_583 : vector<16xi32> to vector<16xi32>
    %convert_element_type3A_585 = arith.sitofp %get3A_584 : vector<16xi32> to vector<16xf32>
    %mul3A_586 = arith.mulf %add3A_581, %convert_element_type3A_585 : vector<16xf32>
    %swap3A_587 = arith.constant 656 : index
    %swap3A_588 = tpu.vector_load %arg8[%swap3A_587] {strides = array<i32>} : memref<1024xf32, #tpu.memory_space<vmem>>, vector<16xf32>,
    %swap3A_589 = vector.shape_cast %swap3A_588 : vector<16xf32> to vector<16xf32>
    %swap3A_590 = vector.shape_cast %mul3A_586 : vector<16xf32> to vector<16xf32>
    tpu.vector_store %arg8[%swap3A_587], %swap3A_590 {strides = array<i32>} : memref<1024xf32, #tpu.memory_space<vmem>>, vector<16xf32>,
    %get3A_591 = arith.constant 672 : index
    %get3A_592 = tpu.vector_load %arg6[%get3A_591] {strides = array<i32>} : memref<1024xf32, #tpu.memory_space<vmem>>, vector<16xf32>,
    %get3A_593 = vector.shape_cast %get3A_592 : vector<16xf32> to vector<16xf32>
    %add3A_594 = vector.broadcast %squeeze3A : f32 to vector<16xf32>
    %add3A_595 = arith.addf %get3A_593, %add3A_594 : vector<16xf32>
    %get3A_596 = arith.constant 672 : index
    %get3A_597 = tpu.vector_load %arg7[%get3A_596] {strides = array<i32>} : memref<1024xi32, #tpu.memory_space<vmem>>, vector<16xi32>,
    %get3A_598 = vector.shape_cast %get3A_597 : vector<16xi32> to vector<16xi32>
    %convert_element_type3A_599 = arith.sitofp %get3A_598 : vector<16xi32> to vector<16xf32>
    %mul3A_600 = arith.mulf %add3A_595, %convert_element_type3A_599 : vector<16xf32>
    %swap3A_601 = arith.constant 672 : index
    %swap3A_602 = tpu.vector_load %arg8[%swap3A_601] {strides = array<i32>} : memref<1024xf32, #tpu.memory_space<vmem>>, vector<16xf32>,
    %swap3A_603 = vector.shape_cast %swap3A_602 : vector<16xf32> to vector<16xf32>
    %swap3A_604 = vector.shape_cast %mul3A_600 : vector<16xf32> to vector<16xf32>
    tpu.vector_store %arg8[%swap3A_601], %swap3A_604 {strides = array<i32>} : memref<1024xf32, #tpu.memory_space<vmem>>, vector<16xf32>,
    %get3A_605 = arith.constant 688 : index
    %get3A_606 = tpu.vector_load %arg6[%get3A_605] {strides = array<i32>} : memref<1024xf32, #tpu.memory_space<vmem>>, vector<16xf32>,
    %get3A_607 = vector.shape_cast %get3A_606 : vector<16xf32> to vector<16xf32>
    %add3A_608 = vector.broadcast %squeeze3A : f32 to vector<16xf32>
    %add3A_609 = arith.addf %get3A_607, %add3A_608 : vector<16xf32>
    %get3A_610 = arith.constant 688 : index
    %get3A_611 = tpu.vector_load %arg7[%get3A_610] {strides = array<i32>} : memref<1024xi32, #tpu.memory_space<vmem>>, vector<16xi32>,
    %get3A_612 = vector.shape_cast %get3A_611 : vector<16xi32> to vector<16xi32>
    %convert_element_type3A_613 = arith.sitofp %get3A_612 : vector<16xi32> to vector<16xf32>
    %mul3A_614 = arith.mulf %add3A_609, %convert_element_type3A_613 : vector<16xf32>
    %swap3A_615 = arith.constant 688 : index
    %swap3A_616 = tpu.vector_load %arg8[%swap3A_615] {strides = array<i32>} : memref<1024xf32, #tpu.memory_space<vmem>>, vector<16xf32>,
    %swap3A_617 = vector.shape_cast %swap3A_616 : vector<16xf32> to vector<16xf32>
    %swap3A_618 = vector.shape_cast %mul3A_614 : vector<16xf32> to vector<16xf32>
    tpu.vector_store %arg8[%swap3A_615], %swap3A_618 {strides = array<i32>} : memref<1024xf32, #tpu.memory_space<vmem>>, vector<16xf32>,
    %get3A_619 = arith.constant 704 : index
    %get3A_620 = tpu.vector_load %arg6[%get3A_619] {strides = array<i32>} : memref<1024xf32, #tpu.memory_space<vmem>>, vector<16xf32>,
    %get3A_621 = vector.shape_cast %get3A_620 : vector<16xf32> to vector<16xf32>
    %add3A_622 = vector.broadcast %squeeze3A : f32 to vector<16xf32>
    %add3A_623 = arith.addf %get3A_621, %add3A_622 : vector<16xf32>
    %get3A_624 = arith.constant 704 : index
    %get3A_625 = tpu.vector_load %arg7[%get3A_624] {strides = array<i32>} : memref<1024xi32, #tpu.memory_space<vmem>>, vector<16xi32>,
    %get3A_626 = vector.shape_cast %get3A_625 : vector<16xi32> to vector<16xi32>
    %convert_element_type3A_627 = arith.sitofp %get3A_626 : vector<16xi32> to vector<16xf32>
    %mul3A_628 = arith.mulf %add3A_623, %convert_element_type3A_627 : vector<16xf32>
    %swap3A_629 = arith.constant 704 : index
    %swap3A_630 = tpu.vector_load %arg8[%swap3A_629] {strides = array<i32>} : memref<1024xf32, #tpu.memory_space<vmem>>, vector<16xf32>,
    %swap3A_631 = vector.shape_cast %swap3A_630 : vector<16xf32> to vector<16xf32>
    %swap3A_632 = vector.shape_cast %mul3A_628 : vector<16xf32> to vector<16xf32>
    tpu.vector_store %arg8[%swap3A_629], %swap3A_632 {strides = array<i32>} : memref<1024xf32, #tpu.memory_space<vmem>>, vector<16xf32>,
    %get3A_633 = arith.constant 720 : index
    %get3A_634 = tpu.vector_load %arg6[%get3A_633] {strides = array<i32>} : memref<1024xf32, #tpu.memory_space<vmem>>, vector<16xf32>,
    %get3A_635 = vector.shape_cast %get3A_634 : vector<16xf32> to vector<16xf32>
    %add3A_636 = vector.broadcast %squeeze3A : f32 to vector<16xf32>
    %add3A_637 = arith.addf %get3A_635, %add3A_636 : vector<16xf32>
    %get3A_638 = arith.constant 720 : index
    %get3A_639 = tpu.vector_load %arg7[%get3A_638] {strides = array<i32>} : memref<1024xi32, #tpu.memory_space<vmem>>, vector<16xi32>,
    %get3A_640 = vector.shape_cast %get3A_639 : vector<16xi32> to vector<16xi32>
    %convert_element_type3A_641 = arith.sitofp %get3A_640 : vector<16xi32> to vector<16xf32>
    %mul3A_642 = arith.mulf %add3A_637, %convert_element_type3A_641 : vector<16xf32>
    %swap3A_643 = arith.constant 720 : index
    %swap3A_644 = tpu.vector_load %arg8[%swap3A_643] {strides = array<i32>} : memref<1024xf32, #tpu.memory_space<vmem>>, vector<16xf32>,
    %swap3A_645 = vector.shape_cast %swap3A_644 : vector<16xf32> to vector<16xf32>
    %swap3A_646 = vector.shape_cast %mul3A_642 : vector<16xf32> to vector<16xf32>
    tpu.vector_store %arg8[%swap3A_643], %swap3A_646 {strides = array<i32>} : memref<1024xf32, #tpu.memory_space<vmem>>, vector<16xf32>,
    %get3A_647 = arith.constant 736 : index
    %get3A_648 = tpu.vector_load %arg6[%get3A_647] {strides = array<i32>} : memref<1024xf32, #tpu.memory_space<vmem>>, vector<16xf32>,
    %get3A_649 = vector.shape_cast %get3A_648 : vector<16xf32> to vector<16xf32>
    %add3A_650 = vector.broadcast %squeeze3A : f32 to vector<16xf32>
    %add3A_651 = arith.addf %get3A_649, %add3A_650 : vector<16xf32>
    %get3A_652 = arith.constant 736 : index
    %get3A_653 = tpu.vector_load %arg7[%get3A_652] {strides = array<i32>} : memref<1024xi32, #tpu.memory_space<vmem>>, vector<16xi32>,
    %get3A_654 = vector.shape_cast %get3A_653 : vector<16xi32> to vector<16xi32>
    %convert_element_type3A_655 = arith.sitofp %get3A_654 : vector<16xi32> to vector<16xf32>
    %mul3A_656 = arith.mulf %add3A_651, %convert_element_type3A_655 : vector<16xf32>
    %swap3A_657 = arith.constant 736 : index
    %swap3A_658 = tpu.vector_load %arg8[%swap3A_657] {strides = array<i32>} : memref<1024xf32, #tpu.memory_space<vmem>>, vector<16xf32>,
    %swap3A_659 = vector.shape_cast %swap3A_658 : vector<16xf32> to vector<16xf32>
    %swap3A_660 = vector.shape_cast %mul3A_656 : vector<16xf32> to vector<16xf32>
    tpu.vector_store %arg8[%swap3A_657], %swap3A_660 {strides = array<i32>} : memref<1024xf32, #tpu.memory_space<vmem>>, vector<16xf32>,
    %get3A_661 = arith.constant 752 : index
    %get3A_662 = tpu.vector_load %arg6[%get3A_661] {strides = array<i32>} : memref<1024xf32, #tpu.memory_space<vmem>>, vector<16xf32>,
    %get3A_663 = vector.shape_cast %get3A_662 : vector<16xf32> to vector<16xf32>
    %add3A_664 = vector.broadcast %squeeze3A : f32 to vector<16xf32>
    %add3A_665 = arith.addf %get3A_663, %add3A_664 : vector<16xf32>
    %get3A_666 = arith.constant 752 : index
    %get3A_667 = tpu.vector_load %arg7[%get3A_666] {strides = array<i32>} : memref<1024xi32, #tpu.memory_space<vmem>>, vector<16xi32>,
    %get3A_668 = vector.shape_cast %get3A_667 : vector<16xi32> to vector<16xi32>
    %convert_element_type3A_669 = arith.sitofp %get3A_668 : vector<16xi32> to vector<16xf32>
    %mul3A_670 = arith.mulf %add3A_665, %convert_element_type3A_669 : vector<16xf32>
    %swap3A_671 = arith.constant 752 : index
    %swap3A_672 = tpu.vector_load %arg8[%swap3A_671] {strides = array<i32>} : memref<1024xf32, #tpu.memory_space<vmem>>, vector<16xf32>,
    %swap3A_673 = vector.shape_cast %swap3A_672 : vector<16xf32> to vector<16xf32>
    %swap3A_674 = vector.shape_cast %mul3A_670 : vector<16xf32> to vector<16xf32>
    tpu.vector_store %arg8[%swap3A_671], %swap3A_674 {strides = array<i32>} : memref<1024xf32, #tpu.memory_space<vmem>>, vector<16xf32>,
    %get3A_675 = arith.constant 768 : index
    %get3A_676 = tpu.vector_load %arg6[%get3A_675] {strides = array<i32>} : memref<1024xf32, #tpu.memory_space<vmem>>, vector<16xf32>,
    %get3A_677 = vector.shape_cast %get3A_676 : vector<16xf32> to vector<16xf32>
    %add3A_678 = vector.broadcast %squeeze3A : f32 to vector<16xf32>
    %add3A_679 = arith.addf %get3A_677, %add3A_678 : vector<16xf32>
    %get3A_680 = arith.constant 768 : index
    %get3A_681 = tpu.vector_load %arg7[%get3A_680] {strides = array<i32>} : memref<1024xi32, #tpu.memory_space<vmem>>, vector<16xi32>,
    %get3A_682 = vector.shape_cast %get3A_681 : vector<16xi32> to vector<16xi32>
    %convert_element_type3A_683 = arith.sitofp %get3A_682 : vector<16xi32> to vector<16xf32>
    %mul3A_684 = arith.mulf %add3A_679, %convert_element_type3A_683 : vector<16xf32>
    %swap3A_685 = arith.constant 768 : index
    %swap3A_686 = tpu.vector_load %arg8[%swap3A_685] {strides = array<i32>} : memref<1024xf32, #tpu.memory_space<vmem>>, vector<16xf32>,
    %swap3A_687 = vector.shape_cast %swap3A_686 : vector<16xf32> to vector<16xf32>
    %swap3A_688 = vector.shape_cast %mul3A_684 : vector<16xf32> to vector<16xf32>
    tpu.vector_store %arg8[%swap3A_685], %swap3A_688 {strides = array<i32>} : memref<1024xf32, #tpu.memory_space<vmem>>, vector<16xf32>,
    %get3A_689 = arith.constant 784 : index
    %get3A_690 = tpu.vector_load %arg6[%get3A_689] {strides = array<i32>} : memref<1024xf32, #tpu.memory_space<vmem>>, vector<16xf32>,
    %get3A_691 = vector.shape_cast %get3A_690 : vector<16xf32> to vector<16xf32>
    %add3A_692 = vector.broadcast %squeeze3A : f32 to vector<16xf32>
    %add3A_693 = arith.addf %get3A_691, %add3A_692 : vector<16xf32>
    %get3A_694 = arith.constant 784 : index
    %get3A_695 = tpu.vector_load %arg7[%get3A_694] {strides = array<i32>} : memref<1024xi32, #tpu.memory_space<vmem>>, vector<16xi32>,
    %get3A_696 = vector.shape_cast %get3A_695 : vector<16xi32> to vector<16xi32>
    %convert_element_type3A_697 = arith.sitofp %get3A_696 : vector<16xi32> to vector<16xf32>
    %mul3A_698 = arith.mulf %add3A_693, %convert_element_type3A_697 : vector<16xf32>
    %swap3A_699 = arith.constant 784 : index
    %swap3A_700 = tpu.vector_load %arg8[%swap3A_699] {strides = array<i32>} : memref<1024xf32, #tpu.memory_space<vmem>>, vector<16xf32>,
    %swap3A_701 = vector.shape_cast %swap3A_700 : vector<16xf32> to vector<16xf32>
    %swap3A_702 = vector.shape_cast %mul3A_698 : vector<16xf32> to vector<16xf32>
    tpu.vector_store %arg8[%swap3A_699], %swap3A_702 {strides = array<i32>} : memref<1024xf32, #tpu.memory_space<vmem>>, vector<16xf32>,
    %get3A_703 = arith.constant 800 : index
    %get3A_704 = tpu.vector_load %arg6[%get3A_703] {strides = array<i32>} : memref<1024xf32, #tpu.memory_space<vmem>>, vector<16xf32>,
    %get3A_705 = vector.shape_cast %get3A_704 : vector<16xf32> to vector<16xf32>
    %add3A_706 = vector.broadcast %squeeze3A : f32 to vector<16xf32>
    %add3A_707 = arith.addf %get3A_705, %add3A_706 : vector<16xf32>
    %get3A_708 = arith.constant 800 : index
    %get3A_709 = tpu.vector_load %arg7[%get3A_708] {strides = array<i32>} : memref<1024xi32, #tpu.memory_space<vmem>>, vector<16xi32>,
    %get3A_710 = vector.shape_cast %get3A_709 : vector<16xi32> to vector<16xi32>
    %convert_element_type3A_711 = arith.sitofp %get3A_710 : vector<16xi32> to vector<16xf32>
    %mul3A_712 = arith.mulf %add3A_707, %convert_element_type3A_711 : vector<16xf32>
    %swap3A_713 = arith.constant 800 : index
    %swap3A_714 = tpu.vector_load %arg8[%swap3A_713] {strides = array<i32>} : memref<1024xf32, #tpu.memory_space<vmem>>, vector<16xf32>,
    %swap3A_715 = vector.shape_cast %swap3A_714 : vector<16xf32> to vector<16xf32>
    %swap3A_716 = vector.shape_cast %mul3A_712 : vector<16xf32> to vector<16xf32>
    tpu.vector_store %arg8[%swap3A_713], %swap3A_716 {strides = array<i32>} : memref<1024xf32, #tpu.memory_space<vmem>>, vector<16xf32>,
    %get3A_717 = arith.constant 816 : index
    %get3A_718 = tpu.vector_load %arg6[%get3A_717] {strides = array<i32>} : memref<1024xf32, #tpu.memory_space<vmem>>, vector<16xf32>,
    %get3A_719 = vector.shape_cast %get3A_718 : vector<16xf32> to vector<16xf32>
    %add3A_720 = vector.broadcast %squeeze3A : f32 to vector<16xf32>
    %add3A_721 = arith.addf %get3A_719, %add3A_720 : vector<16xf32>
    %get3A_722 = arith.constant 816 : index
    %get3A_723 = tpu.vector_load %arg7[%get3A_722] {strides = array<i32>} : memref<1024xi32, #tpu.memory_space<vmem>>, vector<16xi32>,
    %get3A_724 = vector.shape_cast %get3A_723 : vector<16xi32> to vector<16xi32>
    %convert_element_type3A_725 = arith.sitofp %get3A_724 : vector<16xi32> to vector<16xf32>
    %mul3A_726 = arith.mulf %add3A_721, %convert_element_type3A_725 : vector<16xf32>
    %swap3A_727 = arith.constant 816 : index
    %swap3A_728 = tpu.vector_load %arg8[%swap3A_727] {strides = array<i32>} : memref<1024xf32, #tpu.memory_space<vmem>>, vector<16xf32>,
    %swap3A_729 = vector.shape_cast %swap3A_728 : vector<16xf32> to vector<16xf32>
    %swap3A_730 = vector.shape_cast %mul3A_726 : vector<16xf32> to vector<16xf32>
    tpu.vector_store %arg8[%swap3A_727], %swap3A_730 {strides = array<i32>} : memref<1024xf32, #tpu.memory_space<vmem>>, vector<16xf32>,
    %get3A_731 = arith.constant 832 : index
    %get3A_732 = tpu.vector_load %arg6[%get3A_731] {strides = array<i32>} : memref<1024xf32, #tpu.memory_space<vmem>>, vector<16xf32>,
    %get3A_733 = vector.shape_cast %get3A_732 : vector<16xf32> to vector<16xf32>
    %add3A_734 = vector.broadcast %squeeze3A : f32 to vector<16xf32>
    %add3A_735 = arith.addf %get3A_733, %add3A_734 : vector<16xf32>
    %get3A_736 = arith.constant 832 : index
    %get3A_737 = tpu.vector_load %arg7[%get3A_736] {strides = array<i32>} : memref<1024xi32, #tpu.memory_space<vmem>>, vector<16xi32>,
    %get3A_738 = vector.shape_cast %get3A_737 : vector<16xi32> to vector<16xi32>
    %convert_element_type3A_739 = arith.sitofp %get3A_738 : vector<16xi32> to vector<16xf32>
    %mul3A_740 = arith.mulf %add3A_735, %convert_element_type3A_739 : vector<16xf32>
    %swap3A_741 = arith.constant 832 : index
    %swap3A_742 = tpu.vector_load %arg8[%swap3A_741] {strides = array<i32>} : memref<1024xf32, #tpu.memory_space<vmem>>, vector<16xf32>,
    %swap3A_743 = vector.shape_cast %swap3A_742 : vector<16xf32> to vector<16xf32>
    %swap3A_744 = vector.shape_cast %mul3A_740 : vector<16xf32> to vector<16xf32>
    tpu.vector_store %arg8[%swap3A_741], %swap3A_744 {strides = array<i32>} : memref<1024xf32, #tpu.memory_space<vmem>>, vector<16xf32>,
    %get3A_745 = arith.constant 848 : index
    %get3A_746 = tpu.vector_load %arg6[%get3A_745] {strides = array<i32>} : memref<1024xf32, #tpu.memory_space<vmem>>, vector<16xf32>,
    %get3A_747 = vector.shape_cast %get3A_746 : vector<16xf32> to vector<16xf32>
    %add3A_748 = vector.broadcast %squeeze3A : f32 to vector<16xf32>
    %add3A_749 = arith.addf %get3A_747, %add3A_748 : vector<16xf32>
    %get3A_750 = arith.constant 848 : index
    %get3A_751 = tpu.vector_load %arg7[%get3A_750] {strides = array<i32>} : memref<1024xi32, #tpu.memory_space<vmem>>, vector<16xi32>,
    %get3A_752 = vector.shape_cast %get3A_751 : vector<16xi32> to vector<16xi32>
    %convert_element_type3A_753 = arith.sitofp %get3A_752 : vector<16xi32> to vector<16xf32>
    %mul3A_754 = arith.mulf %add3A_749, %convert_element_type3A_753 : vector<16xf32>
    %swap3A_755 = arith.constant 848 : index
    %swap3A_756 = tpu.vector_load %arg8[%swap3A_755] {strides = array<i32>} : memref<1024xf32, #tpu.memory_space<vmem>>, vector<16xf32>,
    %swap3A_757 = vector.shape_cast %swap3A_756 : vector<16xf32> to vector<16xf32>
    %swap3A_758 = vector.shape_cast %mul3A_754 : vector<16xf32> to vector<16xf32>
    tpu.vector_store %arg8[%swap3A_755], %swap3A_758 {strides = array<i32>} : memref<1024xf32, #tpu.memory_space<vmem>>, vector<16xf32>,
    %get3A_759 = arith.constant 864 : index
    %get3A_760 = tpu.vector_load %arg6[%get3A_759] {strides = array<i32>} : memref<1024xf32, #tpu.memory_space<vmem>>, vector<16xf32>,
    %get3A_761 = vector.shape_cast %get3A_760 : vector<16xf32> to vector<16xf32>
    %add3A_762 = vector.broadcast %squeeze3A : f32 to vector<16xf32>
    %add3A_763 = arith.addf %get3A_761, %add3A_762 : vector<16xf32>
    %get3A_764 = arith.constant 864 : index
    %get3A_765 = tpu.vector_load %arg7[%get3A_764] {strides = array<i32>} : memref<1024xi32, #tpu.memory_space<vmem>>, vector<16xi32>,
    %get3A_766 = vector.shape_cast %get3A_765 : vector<16xi32> to vector<16xi32>
    %convert_element_type3A_767 = arith.sitofp %get3A_766 : vector<16xi32> to vector<16xf32>
    %mul3A_768 = arith.mulf %add3A_763, %convert_element_type3A_767 : vector<16xf32>
    %swap3A_769 = arith.constant 864 : index
    %swap3A_770 = tpu.vector_load %arg8[%swap3A_769] {strides = array<i32>} : memref<1024xf32, #tpu.memory_space<vmem>>, vector<16xf32>,
    %swap3A_771 = vector.shape_cast %swap3A_770 : vector<16xf32> to vector<16xf32>
    %swap3A_772 = vector.shape_cast %mul3A_768 : vector<16xf32> to vector<16xf32>
    tpu.vector_store %arg8[%swap3A_769], %swap3A_772 {strides = array<i32>} : memref<1024xf32, #tpu.memory_space<vmem>>, vector<16xf32>,
    %get3A_773 = arith.constant 880 : index
    %get3A_774 = tpu.vector_load %arg6[%get3A_773] {strides = array<i32>} : memref<1024xf32, #tpu.memory_space<vmem>>, vector<16xf32>,
    %get3A_775 = vector.shape_cast %get3A_774 : vector<16xf32> to vector<16xf32>
    %add3A_776 = vector.broadcast %squeeze3A : f32 to vector<16xf32>
    %add3A_777 = arith.addf %get3A_775, %add3A_776 : vector<16xf32>
    %get3A_778 = arith.constant 880 : index
    %get3A_779 = tpu.vector_load %arg7[%get3A_778] {strides = array<i32>} : memref<1024xi32, #tpu.memory_space<vmem>>, vector<16xi32>,
    %get3A_780 = vector.shape_cast %get3A_779 : vector<16xi32> to vector<16xi32>
    %convert_element_type3A_781 = arith.sitofp %get3A_780 : vector<16xi32> to vector<16xf32>
    %mul3A_782 = arith.mulf %add3A_777, %convert_element_type3A_781 : vector<16xf32>
    %swap3A_783 = arith.constant 880 : index
    %swap3A_784 = tpu.vector_load %arg8[%swap3A_783] {strides = array<i32>} : memref<1024xf32, #tpu.memory_space<vmem>>, vector<16xf32>,
    %swap3A_785 = vector.shape_cast %swap3A_784 : vector<16xf32> to vector<16xf32>
    %swap3A_786 = vector.shape_cast %mul3A_782 : vector<16xf32> to vector<16xf32>
    tpu.vector_store %arg8[%swap3A_783], %swap3A_786 {strides = array<i32>} : memref<1024xf32, #tpu.memory_space<vmem>>, vector<16xf32>,
    %get3A_787 = arith.constant 896 : index
    %get3A_788 = tpu.vector_load %arg6[%get3A_787] {strides = array<i32>} : memref<1024xf32, #tpu.memory_space<vmem>>, vector<16xf32>,
    %get3A_789 = vector.shape_cast %get3A_788 : vector<16xf32> to vector<16xf32>
    %add3A_790 = vector.broadcast %squeeze3A : f32 to vector<16xf32>
    %add3A_791 = arith.addf %get3A_789, %add3A_790 : vector<16xf32>
    %get3A_792 = arith.constant 896 : index
    %get3A_793 = tpu.vector_load %arg7[%get3A_792] {strides = array<i32>} : memref<1024xi32, #tpu.memory_space<vmem>>, vector<16xi32>,
    %get3A_794 = vector.shape_cast %get3A_793 : vector<16xi32> to vector<16xi32>
    %convert_element_type3A_795 = arith.sitofp %get3A_794 : vector<16xi32> to vector<16xf32>
    %mul3A_796 = arith.mulf %add3A_791, %convert_element_type3A_795 : vector<16xf32>
    %swap3A_797 = arith.constant 896 : index
    %swap3A_798 = tpu.vector_load %arg8[%swap3A_797] {strides = array<i32>} : memref<1024xf32, #tpu.memory_space<vmem>>, vector<16xf32>,
    %swap3A_799 = vector.shape_cast %swap3A_798 : vector<16xf32> to vector<16xf32>
    %swap3A_800 = vector.shape_cast %mul3A_796 : vector<16xf32> to vector<16xf32>
    tpu.vector_store %arg8[%swap3A_797], %swap3A_800 {strides = array<i32>} : memref<1024xf32, #tpu.memory_space<vmem>>, vector<16xf32>,
    %get3A_801 = arith.constant 912 : index
    %get3A_802 = tpu.vector_load %arg6[%get3A_801] {strides = array<i32>} : memref<1024xf32, #tpu.memory_space<vmem>>, vector<16xf32>,
    %get3A_803 = vector.shape_cast %get3A_802 : vector<16xf32> to vector<16xf32>
    %add3A_804 = vector.broadcast %squeeze3A : f32 to vector<16xf32>
    %add3A_805 = arith.addf %get3A_803, %add3A_804 : vector<16xf32>
    %get3A_806 = arith.constant 912 : index
    %get3A_807 = tpu.vector_load %arg7[%get3A_806] {strides = array<i32>} : memref<1024xi32, #tpu.memory_space<vmem>>, vector<16xi32>,
    %get3A_808 = vector.shape_cast %get3A_807 : vector<16xi32> to vector<16xi32>
    %convert_element_type3A_809 = arith.sitofp %get3A_808 : vector<16xi32> to vector<16xf32>
    %mul3A_810 = arith.mulf %add3A_805, %convert_element_type3A_809 : vector<16xf32>
    %swap3A_811 = arith.constant 912 : index
    %swap3A_812 = tpu.vector_load %arg8[%swap3A_811] {strides = array<i32>} : memref<1024xf32, #tpu.memory_space<vmem>>, vector<16xf32>,
    %swap3A_813 = vector.shape_cast %swap3A_812 : vector<16xf32> to vector<16xf32>
    %swap3A_814 = vector.shape_cast %mul3A_810 : vector<16xf32> to vector<16xf32>
    tpu.vector_store %arg8[%swap3A_811], %swap3A_814 {strides = array<i32>} : memref<1024xf32, #tpu.memory_space<vmem>>, vector<16xf32>,
    %get3A_815 = arith.constant 928 : index
    %get3A_816 = tpu.vector_load %arg6[%get3A_815] {strides = array<i32>} : memref<1024xf32, #tpu.memory_space<vmem>>, vector<16xf32>,
    %get3A_817 = vector.shape_cast %get3A_816 : vector<16xf32> to vector<16xf32>
    %add3A_818 = vector.broadcast %squeeze3A : f32 to vector<16xf32>
    %add3A_819 = arith.addf %get3A_817, %add3A_818 : vector<16xf32>
    %get3A_820 = arith.constant 928 : index
    %get3A_821 = tpu.vector_load %arg7[%get3A_820] {strides = array<i32>} : memref<1024xi32, #tpu.memory_space<vmem>>, vector<16xi32>,
    %get3A_822 = vector.shape_cast %get3A_821 : vector<16xi32> to vector<16xi32>
    %convert_element_type3A_823 = arith.sitofp %get3A_822 : vector<16xi32> to vector<16xf32>
    %mul3A_824 = arith.mulf %add3A_819, %convert_element_type3A_823 : vector<16xf32>
    %swap3A_825 = arith.constant 928 : index
    %swap3A_826 = tpu.vector_load %arg8[%swap3A_825] {strides = array<i32>} : memref<1024xf32, #tpu.memory_space<vmem>>, vector<16xf32>,
    %swap3A_827 = vector.shape_cast %swap3A_826 : vector<16xf32> to vector<16xf32>
    %swap3A_828 = vector.shape_cast %mul3A_824 : vector<16xf32> to vector<16xf32>
    tpu.vector_store %arg8[%swap3A_825], %swap3A_828 {strides = array<i32>} : memref<1024xf32, #tpu.memory_space<vmem>>, vector<16xf32>,
    %get3A_829 = arith.constant 944 : index
    %get3A_830 = tpu.vector_load %arg6[%get3A_829] {strides = array<i32>} : memref<1024xf32, #tpu.memory_space<vmem>>, vector<16xf32>,
    %get3A_831 = vector.shape_cast %get3A_830 : vector<16xf32> to vector<16xf32>
    %add3A_832 = vector.broadcast %squeeze3A : f32 to vector<16xf32>
    %add3A_833 = arith.addf %get3A_831, %add3A_832 : vector<16xf32>
    %get3A_834 = arith.constant 944 : index
    %get3A_835 = tpu.vector_load %arg7[%get3A_834] {strides = array<i32>} : memref<1024xi32, #tpu.memory_space<vmem>>, vector<16xi32>,
    %get3A_836 = vector.shape_cast %get3A_835 : vector<16xi32> to vector<16xi32>
    %convert_element_type3A_837 = arith.sitofp %get3A_836 : vector<16xi32> to vector<16xf32>
    %mul3A_838 = arith.mulf %add3A_833, %convert_element_type3A_837 : vector<16xf32>
    %swap3A_839 = arith.constant 944 : index
    %swap3A_840 = tpu.vector_load %arg8[%swap3A_839] {strides = array<i32>} : memref<1024xf32, #tpu.memory_space<vmem>>, vector<16xf32>,
    %swap3A_841 = vector.shape_cast %swap3A_840 : vector<16xf32> to vector<16xf32>
    %swap3A_842 = vector.shape_cast %mul3A_838 : vector<16xf32> to vector<16xf32>
    tpu.vector_store %arg8[%swap3A_839], %swap3A_842 {strides = array<i32>} : memref<1024xf32, #tpu.memory_space<vmem>>, vector<16xf32>,
    %get3A_843 = arith.constant 960 : index
    %get3A_844 = tpu.vector_load %arg6[%get3A_843] {strides = array<i32>} : memref<1024xf32, #tpu.memory_space<vmem>>, vector<16xf32>,
    %get3A_845 = vector.shape_cast %get3A_844 : vector<16xf32> to vector<16xf32>
    %add3A_846 = vector.broadcast %squeeze3A : f32 to vector<16xf32>
    %add3A_847 = arith.addf %get3A_845, %add3A_846 : vector<16xf32>
    %get3A_848 = arith.constant 960 : index
    %get3A_849 = tpu.vector_load %arg7[%get3A_848] {strides = array<i32>} : memref<1024xi32, #tpu.memory_space<vmem>>, vector<16xi32>,
    %get3A_850 = vector.shape_cast %get3A_849 : vector<16xi32> to vector<16xi32>
    %convert_element_type3A_851 = arith.sitofp %get3A_850 : vector<16xi32> to vector<16xf32>
    %mul3A_852 = arith.mulf %add3A_847, %convert_element_type3A_851 : vector<16xf32>
    %swap3A_853 = arith.constant 960 : index
    %swap3A_854 = tpu.vector_load %arg8[%swap3A_853] {strides = array<i32>} : memref<1024xf32, #tpu.memory_space<vmem>>, vector<16xf32>,
    %swap3A_855 = vector.shape_cast %swap3A_854 : vector<16xf32> to vector<16xf32>
    %swap3A_856 = vector.shape_cast %mul3A_852 : vector<16xf32> to vector<16xf32>
    tpu.vector_store %arg8[%swap3A_853], %swap3A_856 {strides = array<i32>} : memref<1024xf32, #tpu.memory_space<vmem>>, vector<16xf32>,
    %get3A_857 = arith.constant 976 : index
    %get3A_858 = tpu.vector_load %arg6[%get3A_857] {strides = array<i32>} : memref<1024xf32, #tpu.memory_space<vmem>>, vector<16xf32>,
    %get3A_859 = vector.shape_cast %get3A_858 : vector<16xf32> to vector<16xf32>
    %add3A_860 = vector.broadcast %squeeze3A : f32 to vector<16xf32>
    %add3A_861 = arith.addf %get3A_859, %add3A_860 : vector<16xf32>
    %get3A_862 = arith.constant 976 : index
    %get3A_863 = tpu.vector_load %arg7[%get3A_862] {strides = array<i32>} : memref<1024xi32, #tpu.memory_space<vmem>>, vector<16xi32>,
    %get3A_864 = vector.shape_cast %get3A_863 : vector<16xi32> to vector<16xi32>
    %convert_element_type3A_865 = arith.sitofp %get3A_864 : vector<16xi32> to vector<16xf32>
    %mul3A_866 = arith.mulf %add3A_861, %convert_element_type3A_865 : vector<16xf32>
    %swap3A_867 = arith.constant 976 : index
    %swap3A_868 = tpu.vector_load %arg8[%swap3A_867] {strides = array<i32>} : memref<1024xf32, #tpu.memory_space<vmem>>, vector<16xf32>,
    %swap3A_869 = vector.shape_cast %swap3A_868 : vector<16xf32> to vector<16xf32>
    %swap3A_870 = vector.shape_cast %mul3A_866 : vector<16xf32> to vector<16xf32>
    tpu.vector_store %arg8[%swap3A_867], %swap3A_870 {strides = array<i32>} : memref<1024xf32, #tpu.memory_space<vmem>>, vector<16xf32>,
    %get3A_871 = arith.constant 992 : index
    %get3A_872 = tpu.vector_load %arg6[%get3A_871] {strides = array<i32>} : memref<1024xf32, #tpu.memory_space<vmem>>, vector<16xf32>,
    %get3A_873 = vector.shape_cast %get3A_872 : vector<16xf32> to vector<16xf32>
    %add3A_874 = vector.broadcast %squeeze3A : f32 to vector<16xf32>
    %add3A_875 = arith.addf %get3A_873, %add3A_874 : vector<16xf32>
    %get3A_876 = arith.constant 992 : index
    %get3A_877 = tpu.vector_load %arg7[%get3A_876] {strides = array<i32>} : memref<1024xi32, #tpu.memory_space<vmem>>, vector<16xi32>,
    %get3A_878 = vector.shape_cast %get3A_877 : vector<16xi32> to vector<16xi32>
    %convert_element_type3A_879 = arith.sitofp %get3A_878 : vector<16xi32> to vector<16xf32>
    %mul3A_880 = arith.mulf %add3A_875, %convert_element_type3A_879 : vector<16xf32>
    %swap3A_881 = arith.constant 992 : index
    %swap3A_882 = tpu.vector_load %arg8[%swap3A_881] {strides = array<i32>} : memref<1024xf32, #tpu.memory_space<vmem>>, vector<16xf32>,
    %swap3A_883 = vector.shape_cast %swap3A_882 : vector<16xf32> to vector<16xf32>
    %swap3A_884 = vector.shape_cast %mul3A_880 : vector<16xf32> to vector<16xf32>
    tpu.vector_store %arg8[%swap3A_881], %swap3A_884 {strides = array<i32>} : memref<1024xf32, #tpu.memory_space<vmem>>, vector<16xf32>,
    %get3A_885 = arith.constant 1008 : index
    %get3A_886 = tpu.vector_load %arg6[%get3A_885] {strides = array<i32>} : memref<1024xf32, #tpu.memory_space<vmem>>, vector<16xf32>,
    %get3A_887 = vector.shape_cast %get3A_886 : vector<16xf32> to vector<16xf32>
    %add3A_888 = vector.broadcast %squeeze3A : f32 to vector<16xf32>
    %add3A_889 = arith.addf %get3A_887, %add3A_888 : vector<16xf32>
    %get3A_890 = arith.constant 1008 : index
    %get3A_891 = tpu.vector_load %arg7[%get3A_890] {strides = array<i32>} : memref<1024xi32, #tpu.memory_space<vmem>>, vector<16xi32>,
    %get3A_892 = vector.shape_cast %get3A_891 : vector<16xi32> to vector<16xi32>
    %convert_element_type3A_893 = arith.sitofp %get3A_892 : vector<16xi32> to vector<16xf32>
    %mul3A_894 = arith.mulf %add3A_889, %convert_element_type3A_893 : vector<16xf32>
    %swap3A_895 = arith.constant 1008 : index
    %swap3A_896 = tpu.vector_load %arg8[%swap3A_895] {strides = array<i32>} : memref<1024xf32, #tpu.memory_space<vmem>>, vector<16xf32>,
    %swap3A_897 = vector.shape_cast %swap3A_896 : vector<16xf32> to vector<16xf32>
    %swap3A_898 = vector.shape_cast %mul3A_894 : vector<16xf32> to vector<16xf32>
    tpu.vector_store %arg8[%swap3A_895], %swap3A_898 {strides = array<i32>} : memref<1024xf32, #tpu.memory_space<vmem>>, vector<16xf32>,
    "tpu.region"() ({
      %run_scoped3A = tpu.sem_alloc : memref<!tpu.dma_semaphore, #tpu.memory_space<semaphore_mem>>
      %dma_start3A = tpu.memref_slice %arg5[%mul3A_2] : memref<32768xf32, #tpu.memory_space<hbm>> -> memref<1024xf32, #tpu.memory_space<hbm>>
      %dma_start3A_899 = tpu.memref_slice %arg5[%mul3A_2] : memref<32768xf32, #tpu.memory_space<hbm>> -> memref<1024xf32, #tpu.memory_space<hbm>>
      tpu.enqueue_dma source(%arg8 : memref<1024xf32, #tpu.memory_space<vmem>>) target(%dma_start3A_899 : memref<1024xf32, #tpu.memory_space<hbm>>) target_semaphore(%run_scoped3A : memref<!tpu.dma_semaphore, #tpu.memory_space<semaphore_mem>>)
      %dma_wait3A = tpu.memref_slice %arg5[%mul3A_2] : memref<32768xf32, #tpu.memory_space<hbm>> -> memref<1024xf32, #tpu.memory_space<hbm>>
      %dma_wait3A_900 = tpu.memref_slice %arg5[%mul3A_2] : memref<32768xf32, #tpu.memory_space<hbm>> -> memref<1024xf32, #tpu.memory_space<hbm>>
      tpu.wait_dma2 semaphore(%run_scoped3A : memref<!tpu.dma_semaphore, #tpu.memory_space<semaphore_mem>>) src(%arg8 : memref<1024xf32, #tpu.memory_space<vmem>>) dst(%dma_wait3A_900 : memref<1024xf32, #tpu.memory_space<hbm>>)
      tpu.yield
    }) : () -> ()
    return
  }
}

</mosaic_0001>

<sc_bundles>
// kernel: _sc_call.3.cloned.1.call-start
scs
__scs_entry_jumppad:
0x0: {  	(pc) =	sbr.rel $0x88, $3  }
0x1: {  	(tag) =	ssettag $0x0;
	lr =	simm.s32 $0x1  }
0x2: {  	[smem:$0x3F9E] =	sst lr;
	_ =	strace $0xD0000000  }
0x3: {  	_ = 	snop  }
0x4: {  	_ = 	snop  }
0x5: {  	_ = 	snop  }
0x6: {  	_ = 	snop  }
0x7: {  	_ = 	snop  }
__scs_overlays_trampoline_lowered:
0x8: {  	[smem:$0x3FAD] =	sst s0  }
0x9: {  	[smem:$0x3FAE] =	sst s1  }
0xa: {  	[smem:$0x3FAF] =	sst s2  }
0xb: {  	[smem:$0x3FB0] =	sst s3  }
0xc: {  	[smem:$0x3FB1] =	sst s4  }
0xd: {  	[smem:$0x3FB2] =	sst s5  }
0xe: {  	[smem:$0x3FB3] =	sst s6  }
0xf: {  	[smem:$0x3FB4] =	sst s7  }
0x10: {  	[smem:$0x3FB5] =	sst s8  }
0x11: {  	[smem:$0x3FB6] =	sst s9;
	s0 =	simm.s32 @!p0 $0x0  }
0x12: {  	s1 =	sld [smem:$0x3F9C];
	s0 =	simm.s32 @p0 $0x1  }
0x13: {  	[smem:$0x3FB7] =	sst s0;
	s0 =	simm.s32 @!p1 $0x0  }
0x14: {  	s2 =	sld [smem:$0x3F9B];
	s0 =	simm.s32 @p1 $0x1  }
0x15: {  	[smem:$0x3FB8] =	sst s0;
	s0 =	simm.s32 @!p2 $0x0  }
0x16: {  	s3 =	sld [smem:$0x3FDB];
	s0 =	simm.s32 @p2 $0x1  }
0x17: {  	s4 =	simm.s32 $0x1BF5;
	[smem:$0x3FBA] =	sst s0  }
0x18: {  	s0 =	sld [smem:$0x3F9D];
	_ =	swait.ge [sflag:s4], $0x0  }
0x19: {  	s7 =	sld [smem:$0x3F9E]  }
0x1a: {  	s8 =	sadd.s32 $0xFFFFE003, lr  }
0x1b: {  	s9 =	sadd.s32 $0xFFFFFEF7, lr;
	s5 =	simm.s32 $0xFFFFFFFF;
	p2 =	slt.u32 s8, $0xFFFFF086  }
0x1c: {  	p1 =	slt.u32 s9, $0xF7A;
	s5 =	simm.s32 @!p2 $0x0  }
0x1d: {  	s5 =	simm.s32 @p1 $0x1;
	p0 =	seq.s32 s7, s2  }
0x1e: {  	s7 =	smul.u32 @!p0 $0xF7A, s2;
	p2 =	seq.s32 @!p0 s5, $0x0  }
0x1f: {  	s9 =	smul.u32 $0xF7A, s1;
	s8 =	simm.s32 @!p0 $0x1BF5;
	p2 =	por !p2, p0  }
0x20: {  	[sflag:s8] =	ssyncset.s32 @!p0 $0xFFFFF086;
	s6 =	sadd.s32 @!p0 s3, s7;
	s7 =	simm.s32 @!p0 $0x108  }
0x21: {  	s3 =	sadd.s32 s3, s9;
	s6 =	sadd.s32 @!p0 $0x88, s6;
	s7 =	simm.s32 @p2 $0x1082  }
0x22: {  	[simem:s7], [sflag:s8] =	dma.local @!p0 [hbm:s6], $0xF7A  }
0x23: {  	s9 =	sor.u32 $0xD0000000, s2;
	s6 =	simm.s32 $0x108;
	_ =	swait.ge @!p0 [sflag:s8], $0x0  }
0x24: {  	s3 =	sadd.s32 $0x88, s3;
	s6 =	simm.s32 @!p1 $0x1082;
	[sflag:s4] =	ssyncset.s32 $0xFFFFF086  }
0x25: {  	[simem:s6], [sflag:s4] =	dma.local [hbm:s3], $0xF7A  }
0x26: {  	[smem:$0x3F9E] =	sst s1;
	(tag) =	ssettag s2;
	_ =	strace s9  }
0x27: {  	s1 =	sld [smem:$0x3FAE]  }
0x28: {  	s2 =	sld [smem:$0x3FAF]  }
0x29: {  	s4 =	sld [smem:$0x3FB1]  }
0x2a: {  	p0 =	seq.s32 s5, $0x0;
	s5 =	sld [smem:$0x3FB2]  }
0x2b: {  	s6 =	sld [smem:$0x3FB3]  }
0x2c: {  	s7 =	sld [smem:$0x3FB4]  }
0x2d: {  	s3 =	simm.s32 $0x108;
	s8 =	sld [smem:$0x3FB5]  }
0x2e: {  	s3 =	simm.s32 @!p0 $0x1082;
	s9 =	sld [smem:$0x3FB6]  }
0x2f: {  	lr =	sadd.s32 s0, s3;
	s0 =	sld [smem:$0x3FAD]  }
0x30: {  	s3 =	sld [smem:$0x3FB0]  }
0x31: {  	[smem:$0x3FB9] =	sst s10  }
0x32: {  	s10 =	sld [smem:$0x3FB7];
	_ =	sdelay $0x3  }
0x33: {  	p0 =	seq.s32 s10, $0x1;
	s10 =	sld [smem:$0x3FB9];
	_ =	sdelay $0x3  }
0x34: {  	[smem:$0x3FB9] =	sst s10  }
0x35: {  	s10 =	sld [smem:$0x3FB8];
	_ =	sdelay $0x3  }
0x36: {  	p1 =	seq.s32 s10, $0x1;
	s10 =	sld [smem:$0x3FB9];
	_ =	sdelay $0x3  }
0x37: {  	[smem:$0x3FB9] =	sst s10  }
0x38: {  	s10 =	sld [smem:$0x3FBA]  }
0x39: {  	_ = 	snop;
	(pc) =	sbr.ind lr, $3  }
0x3a: {  	_ = 	snop  }
0x3b: {  	_ = 	snop  }
0x3c: {  	p2 =	seq.s32 s10, $0x1;
	s10 =	sld [smem:$0x3FB9]  }
0x3d: {  	_ =	shalt  }
0x3e: {  	_ =	shalt  }
0x3f: {  	_ =	shalt  }
0x40: {  	_ =	shalt  }
0x41: {  	_ =	shalt  }
0x42: {  	_ =	shalt  }
0x43: {  	_ =	shalt  }
0x44: {  	_ =	shalt  }
0x45: {  	_ =	shalt  }
0x46: {  	_ =	shalt  }
0x47: {  	_ =	shalt  }
0x48: {  	_ =	shalt  }
0x49: {  	_ =	shalt  }
0x4a: {  	_ =	shalt  }
0x4b: {  	_ =	shalt  }
0x4c: {  	_ =	shalt  }
0x4d: {  	_ =	shalt  }
0x4e: {  	_ =	shalt  }
0x4f: {  	_ =	shalt  }
0x50: {  	_ =	shalt  }
0x51: {  	_ =	shalt  }
0x52: {  	_ =	shalt  }
0x53: {  	_ =	shalt  }
0x54: {  	_ =	shalt  }
0x55: {  	_ =	shalt  }
0x56: {  	_ =	shalt  }
0x57: {  	_ =	shalt  }
0x58: {  	_ =	shalt  }
0x59: {  	_ =	shalt  }
0x5a: {  	_ =	shalt  }
0x5b: {  	_ =	shalt  }
0x5c: {  	_ =	shalt  }
0x5d: {  	_ =	shalt  }
0x5e: {  	_ =	shalt  }
0x5f: {  	_ =	shalt  }
0x60: {  	_ =	shalt  }
0x61: {  	_ =	shalt  }
0x62: {  	_ =	shalt  }
0x63: {  	_ =	shalt  }
0x64: {  	_ =	shalt  }
0x65: {  	_ =	shalt  }
0x66: {  	_ =	shalt  }
0x67: {  	_ =	shalt  }
0x68: {  	_ =	shalt  }
0x69: {  	_ =	shalt  }
0x6a: {  	_ =	shalt  }
0x6b: {  	_ =	shalt  }
0x6c: {  	_ =	shalt  }
0x6d: {  	_ =	shalt  }
0x6e: {  	_ =	shalt  }
0x6f: {  	_ =	shalt  }
0x70: {  	_ =	shalt  }
0x71: {  	_ =	shalt  }
0x72: {  	_ =	shalt  }
0x73: {  	_ =	shalt  }
0x74: {  	_ =	shalt  }
0x75: {  	_ =	shalt  }
0x76: {  	_ =	shalt  }
0x77: {  	_ =	shalt  }
0x78: {  	_ =	shalt  }
0x79: {  	_ =	shalt  }
0x7a: {  	_ =	shalt  }
0x7b: {  	_ =	shalt  }
0x7c: {  	_ =	shalt  }
0x7d: {  	_ =	shalt  }
0x7e: {  	_ =	shalt  }
0x7f: {  	_ =	shalt  }
0x80: {  	_ =	shalt  }
0x81: {  	_ =	shalt  }
0x82: {  	_ =	shalt  }
0x83: {  	_ =	shalt  }
0x84: {  	_ =	shalt  }
0x85: {  	_ =	shalt  }
0x86: {  	_ =	shalt  }
0x87: {  	_ =	shalt  }
.Lfunc_end0:
.L_simem_size_0:
called_computation_lowered:
.L_overlay_start_0:
0x88: {  	s2 =	sld [smem:$0x3FD9]  }
0x89: {  	s3 =	sld [smem:$0x3FFE];
	_ =	sdelay $0x1  }
0x8a: {  	s1 =	srdreg.scid  }
0x8b: {  	s0 =	sand.u32 $0x1, s1  }
0x8c: {  	s18 =	sshll.u32 s0, $0xA;
	s2 =	sadd.s32 s3, s2  }
0x8d: {  	s2 =	sadd.s32 s2, s18  }
0x8e: {  	[smem:$0x3FC5] =	sst s2  }
0x8f: {  	_ = 	snop  }
0x90: {  	s2 =	sld [smem:$0x3FC9]  }
0x91: {  	s19 =	sld [smem:$0x3FC8]  }
0x92: {  	s4 =	sld [smem:$0x3FC7]  }
0x93: {  	s5 =	sld [smem:$0x3FD0];
	(tm) =	ssettm $0x1  }
0x94: {  	s6 =	sld [smem:$0x3FFB];
	_ =	sdelay $0x3  }
0x95: {  	_ =	strace s6  }
0x96: {  	s6 =	sld [smem:$0x3FFC];
	_ =	sdelay $0x3  }
0x97: {  	_ =	strace s6  }
0x98: {  	s6 =	sld [smem:$0x3FFD];
	_ =	sdelay $0x3  }
0x99: {  	_ =	strace s6  }
0x9a: {  	_ =	strace $0x8FFFFFFF  }
0x9b: {  	s20 =	sld [smem:$0x3FDB];
	_ =	sdelay $0x1  }
0x9c: {  	s7 =	simm.s32 $_scs_section_size  }
0x9d: {  	s8 =	simm.s32 $_size__tile_overlayer_lowered;
	s9 =	simm.s32 $_tile_overlayer_lowered  }
0x9e: {  	s23 =	simm.s32 $0x1BFF;
	s22 =	sshll.u32 s9, $0x1;
	s6 =	sadd.s32 s7, s20  }
0x9f: {  	s10 =	simm.s32 $0x0;
	s21 =	sshll.u32 s8, $0x1;
	s8 =	sadd.s32 s22, s6  }
0xa0: {  	[timem:s10], [sflag:s23] =	dma.local [hbm:s8], s21  }
0xa1: {  	_ =	swait.ge [sflag:s23], s21  }
0xa2: {  	s7 =	ssub.s32 $0x0, s21;
	[sflag:s23] =	ssyncset.done $0x0  }
0xa3: {  	[sflag:s23] =	ssyncadd.s32 s7;
	_ =	sdelay $0x1  }
0xa4: {  	s24 =	simm.s32 $0x1B8B  }
0xa5: {  	_ =	swait.ge [sflag:s24], $0x1  }
0xa6: {  	[sflag:s24] =	ssyncset.done $0x0  }
0xa7: {  	s25 =	simm.s32 $0x1B8E;
	[sflag:s24] =	ssyncadd.s32 $0xFFFFFFFF  }
0xa8: {  	s26 =	simm.s32 $execute0_lowered;
	[smem:$0x3FD2] =	sst s25  }
0xa9: {  	s7 =	sshll.u32 s26, $0x1;
	_ =	strace $0x80000046;
	[dreg:$0x1] =	wrdreg $0xFFFFFFFF  }
0xaa: {  	s28 =	simm.s32 $_size_execute0_lowered;
	s6 =	sadd.s32 s6, s7;
	[dreg:$0x0] =	wrdreg $0x0  }
0xab: {  	s7 =	sshll.u32 s28, $0x1;
	[dreg:$0x2] =	wrdreg s6  }
0xac: {  	[dreg:$0x3] =	wrdreg s7  }
0xad: {  	[dreg:$0x4] =	wrdreg $0xC0  }
0xae: {  	_ =	task [dreg:s10], $0x5FFFF  }
0xaf: {  	[dreg:$0x1] =	wrdreg $0xFFFFFFFF  }
0xb0: {  	[dreg:$0x0] =	wrdreg $0x60  }
0xb1: {  	[dreg:$0x2] =	wrdreg s2  }
0xb2: {  	[dreg:$0x3] =	wrdreg s19  }
0xb3: {  	[dreg:$0x4] =	wrdreg s4  }
0xb4: {  	[dreg:$0x5] =	wrdreg s5  }
0xb5: {  	[dreg:$0x6] =	wrdreg $0x9  }
0xb6: {  	_ =	task.clear_ibuf [dreg:s10], $0x7FFFF;
	_ =	strace $0x90000046  }
0xb7: {  	s29 =	simm.s32 $0x9;
	_ =	strace $0x80000048  }
0xb8: {  	_ =	swait.ge [sflag:s29], $0x1  }
0xb9: {  	[sflag:s29] =	ssyncadd.s32 $0xFFFFFFFF  }
0xba: {  	_ =	strace $0x90000048  }
0xbb: {  	_ =	sfence  }
0xbc: {  	s30 =	sld [smem:$0x0];
	_ =	sdelay $0x2  }
0xbd: {  	s31 =	sshll.u32 s1, $0xD;
	s1 =	sshrl.u32 s1, $0x2  }
0xbe: {  	s3 =	sand.u32 $0x4000, s31;
	s1 =	sadd.s32 s1, s30  }
0xbf: {  	s0 =	sor.u32 s3, s0;
	s1 =	sshll.u32 s1, $0x11  }
0xc0: {  	s0 =	sor.u32 s1, s0  }
0xc1: {  	s0 =	sadd.s32 $0x8F2B, s0  }
0xc2: {  	[sflag:s0] =	ssyncadd.remote.s32 $0x1  }
0xc3: {  	_ =	sfence.sel $0xFFFF  }
0xc4: {  	[dreg:$0x0] =	wrdreg $0xFFFFFFFF;
	(pc) =	sbr.abs _section_cstart, $3  }
0xc5: {  	[dreg:$0x1] =	wrdreg $0xFFFFFFFF  }
0xc6: {  	_ =	task.clear_ibuf [dreg:s10], $0x2FFFF;
	_ =	strace $0x9FFFFFFF  }
0xc7: {  	(tm) =	ssettm $0x7FFFFFFF  }
tec
execute0_lowered:
.L_overlay_start_1:
0x0: {  	(tag) =	ssettag $0x1  }
0x1: {  	s4 =	rddreg [dreg:$0x0]  }
0x2: {  	s5 =	rddreg [dreg:$0x1]  }
0x3: {  	s1 =	rddreg [dreg:$0x2]  }
0x4: {  	s6 =	rddreg [dreg:$0x3]  }
0x5: {  	s0 =	rddreg [dreg:$0x4];
	s3 =	simm.s32 $0x0;
	s7 =	srdreg.scid  }
0x6: {  	s2 =	stileid.u32;
	s11 =	simm.s32 $0x800;
	s7 =	sand.u32 $0x1, s7  }
0x7: {  	[smem:$0x7FF] =	sst s3;
	s9 =	sshll.u32 s2, $0x8;
	s8 =	ssub.s32 $0x2, s7  }
0x8: {  	s7 =	sshll.u32 s7, $0x7;
	_ =	strace $0x80000047;
	s10 =	sshrl.u32 s8, $0x1  }
0x9: {  	s7 =	sor.u32 s7, s9;
	s9 =	simm.s32 $0x1;
	s8 =	ssub.s32 s8, s10  }
0xa: {  	s4 =	sadd.s32 s4, s7;
	s5 =	sadd.s32 s5, s7;
	s6 =	sadd.s32 s6, s7  }
0xb: {  	s10 =	simm.s32 $0x400;
	s7 =	smax.u32 s8, $0x1;
	s8 =	simm.s32 $0xC00  }
.LBB2_1:
0xc: {  	[tilespmem:s8], [sflag:$0x1] =	stream.linear.gather [hbm4b:s1+s3], $0x1, $0x38;
	[tilespmem:$0xC80] =	vst v63  }
0xd: {  	_ =	swait.ge [sflag:s9], $0x1  }
0xe: {  	[sflag:s9] =	ssyncset.done $0x0  }
0xf: {  	[sflag:s9] =	ssyncadd.s32 $0xFFFFFFFF  }
0x10: {  	[tilespmem:s3], [sflag:$0x1] =	stream.linear.gather [hbm4b:s4+s3], $0x400, $0x38;
	[tilespmem:$0xC80] =	vst v63  }
0x11: {  	_ =	swait.ge [sflag:s9], $0x400  }
0x12: {  	[sflag:s9] =	ssyncset.done $0x0  }
0x13: {  	[sflag:s9] =	ssyncadd.s32 $0xFFFFFC00  }
0x14: {  	[tilespmem:s10], [sflag:$0x1] =	stream.linear.gather [hbm4b:s5+s3], $0x400, $0x38;
	[tilespmem:$0xC80] =	vst v63  }
0x15: {  	_ =	swait.ge [sflag:s9], $0x400  }
0x16: {  	[sflag:s9] =	ssyncset.done $0x0  }
0x17: {  	[sflag:s9] =	ssyncadd.s32 $0xFFFFFC00  }
0x18: {  	v2 =	vld [tilespmem:$0x0]  }
0x19: {  	v0 =	vld.msk [tilespmem:$0xC00 ss:$0x0], $0xffff  }
0x1a: {  	v3 =	vld [tilespmem:$0x400]  }
0x1b: {  	v6 =	vld [tilespmem:$0x10]  }
0x1c: {  	v7 =	vld [tilespmem:$0x410]  }
0x1d: {  	v10 =	vld [tilespmem:$0x20]  }
0x1e: {  	v13 =	vld [tilespmem:$0x420]  }
0x1f: {  	v16 =	vld [tilespmem:$0x30]  }
0x20: {  	v17 =	vld [tilespmem:$0x430]  }
0x21: {  	v22 =	vld [tilespmem:$0x40]  }
0x22: {  	v23 =	vld [tilespmem:$0x440]  }
0x23: {  	v26 =	vld [tilespmem:$0x50]  }
0x24: {  	v29 =	vld [tilespmem:$0x450]  }
0x25: {  	v32 =	vld [tilespmem:$0x60]  }
0x26: {  	v33 =	vld [tilespmem:$0x460]  }
0x27: {  	v38 =	vld [tilespmem:$0x70]  }
0x28: {  	v39 =	vld [tilespmem:$0x470]  }
0x29: {  	v42 =	vld [tilespmem:$0x80]  }
0x2a: {  	v43 =	vld [tilespmem:$0x480]  }
0x2b: {  	v44 =	vld [tilespmem:$0x90]  }
0x2c: {  	v45 =	vld [tilespmem:$0x490]  }
0x2d: {  	v46 =	vld [tilespmem:$0xA0]  }
0x2e: {  	v47 =	vld [tilespmem:$0x4A0]  }
0x2f: {  	v48 =	vld [tilespmem:$0xB0]  }
0x30: {  	v49 =	vld [tilespmem:$0x4B0]  }
0x31: {  	v50 =	vld [tilespmem:$0xC0]  }
0x32: {  	v51 =	vld [tilespmem:$0x4C0]  }
0x33: {  	v52 =	vld [tilespmem:$0xD0]  }
0x34: {  	v53 =	vld [tilespmem:$0x4D0]  }
0x35: {  	v54 =	vld [tilespmem:$0xE0]  }
0x36: {  	v55 =	vld [tilespmem:$0x4E0]  }
0x37: {  	v56 =	vld [tilespmem:$0xF0]  }
0x38: {  	v57 =	vld [tilespmem:$0x4F0]  }
0x39: {  	v58 =	vld [tilespmem:$0x100]  }
0x3a: {  	v1 =	vld [tilespmem:$0x1F0]  }
0x3b: {  	v59 =	vld [tilespmem:$0x500]  }
0x3c: {  	v60 =	vld [tilespmem:$0x110]  }
0x3d: {  	v61 =	vld [tilespmem:$0x510]  }
0x3e: {  	v62 =	vld [tilespmem:$0x120]  }
0x3f: {  	[tilespmem:$0x1FF70] =	vst v1;
	v1 =	vld [tilespmem:$0x5F0]  }
0x40: {  	v63 =	vld [tilespmem:$0x520]  }
0x41: {  	v5 =	vld [tilespmem:$0x130]  }
0x42: {  	v4 =	vld [tilespmem:$0x530]  }
0x43: {  	v9 =	vld [tilespmem:$0x140]  }
0x44: {  	[tilespmem:$0x1FF80] =	vst v1;
	v1 =	vld [tilespmem:$0x200]  }
0x45: {  	v8 =	vld [tilespmem:$0x540]  }
0x46: {  	v12 =	vld [tilespmem:$0x150]  }
0x47: {  	v11 =	vld [tilespmem:$0x550]  }
0x48: {  	v40 =	vld [tilespmem:$0x160]  }
0x49: {  	[tilespmem:$0x1FF90] =	vst v1;
	v1 =	vld [tilespmem:$0x600]  }
0x4a: {  	v41 =	vld [tilespmem:$0x560]  }
0x4b: {  	v36 =	vld [tilespmem:$0x170]  }
0x4c: {  	v37 =	vld [tilespmem:$0x570]  }
0x4d: {  	v34 =	vld [tilespmem:$0x180]  }
0x4e: {  	[tilespmem:$0x1FFA0] =	vst v1;
	v1 =	vld [tilespmem:$0x210]  }
0x4f: {  	v35 =	vld [tilespmem:$0x580]  }
0x50: {  	v30 =	vld [tilespmem:$0x190]  }
0x51: {  	v31 =	vld [tilespmem:$0x590]  }
0x52: {  	v27 =	vld [tilespmem:$0x1A0]  }
0x53: {  	[tilespmem:$0x1FFB0] =	vst v1;
	v1 =	vld [tilespmem:$0x610]  }
0x54: {  	v28 =	vld [tilespmem:$0x5A0]  }
0x55: {  	v24 =	vld [tilespmem:$0x1B0]  }
0x56: {  	v25 =	vld [tilespmem:$0x5B0]  }
0x57: {  	v20 =	vld [tilespmem:$0x1C0]  }
0x58: {  	[tilespmem:$0x1FFC0] =	vst v1;
	v1 =	vld [tilespmem:$0x220]  }
0x59: {  	v21 =	vld [tilespmem:$0x5C0]  }
0x5a: {  	v18 =	vld [tilespmem:$0x1D0]  }
0x5b: {  	v19 =	vld [tilespmem:$0x5D0];
	v42 =	vadd.f32 v42, v0;
	v43 =	vcvt.s32.f32 v43  }
0x5c: {  	v14 =	vld [tilespmem:$0x1E0]  }
0x5d: {  	v15 =	vld [tilespmem:$0x5E0];
	v2 =	vadd.f32 v0, v2;
	v42 =	vmul.f32 v43, v42;
	[tilespmem:$0x1FFD0] =	vst v1;
	v1 =	vcvt.s32.f32 v3  }
0x5e: {  	v3 =	vld [tilespmem:$0x620]  }
0x5f: {  	[tilespmem:$0x880] =	vst v42;
	v42 =	vld [tilespmem:$0x6A0];
	v1 =	vmul.f32 v1, v2;
	v2 =	vadd.f32 v10, v0;
	v10 =	vcvt.s32.f32 v13  }
0x60: {  	v13 =	vadd.f32 v16, v0;
	v16 =	vcvt.s32.f32 v17;
	v17 =	vcvt.s32.f32 v23;
	v23 =	vld [tilespmem:$0x270]  }
0x61: {  	[tilespmem:$0x800] =	vst v1;
	v1 =	vmul.f32 v10, v2;
	v10 =	vld [tilespmem:$0x640]  }
0x62: {  	v2 =	vadd.f32 v22, v0;
	v22 =	vadd.f32 v26, v0;
	v26 =	vld [tilespmem:$0x670]  }
0x63: {  	v29 =	vcvt.s32.f32 v29;
	[tilespmem:$0x1FFE0] =	vst v3;
	v3 =	vadd.f32 v6, v0;
	v6 =	vld [tilespmem:$0x230]  }
0x64: {  	v7 =	vcvt.s32.f32 v7;
	[tilespmem:$0x820] =	vst v1;
	v1 =	vmul.f32 v17, v2;
	v17 =	vld [tilespmem:$0x260]  }
0x65: {  	v2 =	vadd.f32 v32, v0;
	v32 =	vcvt.s32.f32 v33;
	v33 =	vmul.f32 v29, v22;
	v22 =	vld [tilespmem:$0x660]  }
0x66: {  	v29 =	vld [tilespmem:$0x280]  }
0x67: {  	v3 =	vmul.f32 v7, v3;
	v7 =	vld [tilespmem:$0x240];
	[tilespmem:$0x840] =	vst v1  }
0x68: {  	v1 =	vmul.f32 v32, v2;
	[tilespmem:$0x850] =	vst v33;
	v32 =	vld [tilespmem:$0x680]  }
0x69: {  	v38 =	vadd.f32 v38, v0;
	v39 =	vcvt.s32.f32 v39;
	v33 =	vld [tilespmem:$0x290];
	[tilespmem:$0x810] =	vst v3;
	v3 =	vmul.f32 v16, v13  }
0x6a: {  	v55 =	vcvt.s32.f32 v55;
	v13 =	vld [tilespmem:$0x250]  }
0x6b: {  	v16 =	vld [tilespmem:$0x650];
	[tilespmem:$0x830] =	vst v3;
	v3 =	vmul.f32 v39, v38;
	v38 =	vadd.f32 v44, v0;
	v39 =	vcvt.s32.f32 v45  }
0x6c: {  	v43 =	vadd.f32 v46, v0;
	v46 =	vcvt.s32.f32 v49;
	v49 =	vcvt.s32.f32 v51;
	[tilespmem:$0x1FFF0] =	vst v6;
	v6 =	vld [tilespmem:$0x630]  }
0x6d: {  	v44 =	vcvt.s32.f32 v47;
	v45 =	vadd.f32 v48, v0;
	[tilespmem:$0x870] =	vst v3;
	v3 =	vmul.f32 v39, v38;
	v38 =	vld [tilespmem:$0x690]  }
0x6e: {  	v51 =	vadd.f32 v52, v0;
	v52 =	vcvt.s32.f32 v53;
	v48 =	vadd.f32 v50, v0;
	v39 =	vld [tilespmem:$0x2A0]  }
0x6f: {  	v54 =	vadd.f32 v54, v0;
	v47 =	vmul.f32 v44, v43;
	v50 =	vmul.f32 v46, v45;
	v46 =	vld [tilespmem:$0x2B0]  }
0x70: {  	v53 =	vmul.f32 v49, v48;
	v48 =	vmul.f32 v52, v51;
	v52 =	vadd.f32 v58, v0;
	v43 =	vld [tilespmem:$0x2C0]  }
0x71: {  	v58 =	vadd.f32 v62, v0;
	v62 =	vadd.f32 v9, v0;
	v9 =	vld [tilespmem:$0x6C0]  }
0x72: {  	v49 =	vadd.f32 v56, v0;
	v51 =	vmul.f32 v55, v54;
	v45 =	vcvt.s32.f32 v11;
	v11 =	vld [tilespmem:$0x2D0]  }
0x73: {  	v55 =	vadd.f32 v60, v0;
	v56 =	vcvt.s32.f32 v61;
	v44 =	vadd.f32 v12, v0;
	v12 =	vld [tilespmem:$0x6D0];
	[tilespmem:$0x8A0] =	vst v47  }
0x74: {  	v5 =	vadd.f32 v5, v0;
	v4 =	vcvt.s32.f32 v4;
	v8 =	vcvt.s32.f32 v8;
	[tilespmem:$0x8B0] =	vst v50;
	v47 =	vld [tilespmem:$0x6B0]  }
0x75: {  	v50 =	vcvt.s32.f32 v57;
	[tilespmem:$0x8C0] =	vst v53;
	v60 =	vmul.f32 v56, v55;
	v55 =	vadd.f32 v34, v0;
	v34 =	vld [tilespmem:$0x6E0]  }
0x76: {  	[tilespmem:$0x8D0] =	vst v48;
	v48 =	vmul.f32 v8, v62;
	v62 =	vcvt.s32.f32 v28;
	v28 =	vadd.f32 v24, v0;
	v24 =	vld [tilespmem:$0x300]  }
0x77: {  	v53 =	vcvt.s32.f32 v59;
	[tilespmem:$0x8E0] =	vst v51;
	v51 =	vmul.f32 v45, v44;
	v44 =	vadd.f32 v18, v0;
	v18 =	vld [tilespmem:$0x310]  }
0x78: {  	[tilespmem:$0x860] =	vst v1;
	v59 =	vcvt.s32.f32 v63;
	v45 =	vcvt.s32.f32 v19;
	v19 =	vld [tilespmem:$0x720]  }
0x79: {  	[tilespmem:$0x890] =	vst v3;
	v63 =	vmul.f32 v4, v5;
	v57 =	vmul.f32 v53, v52;
	v52 =	vadd.f32 v36, v0;
	v36 =	vld [tilespmem:$0x2E0]  }
0x7a: {  	v56 =	vcvt.s32.f32 v35;
	v61 =	vmul.f32 v59, v58;
	[tilespmem:$0x910] =	vst v60;
	v58 =	vadd.f32 v30, v0;
	v30 =	vld [tilespmem:$0x2F0]  }
0x7b: {  	[tilespmem:$0x930] =	vst v63;
	v53 =	vcvt.s32.f32 v37;
	v37 =	vadd.f32 v20, v0;
	v20 =	vld [tilespmem:$0x700]  }
0x7c: {  	v54 =	vmul.f32 v50, v49;
	[tilespmem:$0x940] =	vst v48;
	v60 =	vmul.f32 v56, v55;
	v55 =	vld [tilespmem:$0x1FF90]  }
0x7d: {  	[tilespmem:$0x950] =	vst v51;
	v56 =	vld [tilespmem:$0x1FFA0]  }
0x7e: {  	v49 =	vadd.f32 v40, v0;
	v50 =	vcvt.s32.f32 v41;
	v40 =	vcvt.s32.f32 v21;
	v21 =	vld [tilespmem:$0x330];
	[tilespmem:$0x8F0] =	vst v54  }
0x7f: {  	v59 =	vcvt.s32.f32 v31;
	v31 =	vcvt.s32.f32 v25;
	v25 =	vld [tilespmem:$0x730];
	[tilespmem:$0x900] =	vst v57  }
0x80: {  	v51 =	vmul.f32 v45, v44;
	v44 =	vadd.f32 v13, v0;
	v13 =	vld [tilespmem:$0x750];
	[tilespmem:$0x920] =	vst v61  }
0x81: {  	v45 =	vcvt.s32.f32 v16;
	v16 =	vld [tilespmem:$0x360];
	v54 =	vmul.f32 v50, v49;
	[tilespmem:$0x980] =	vst v60  }
0x82: {  	v57 =	vmul.f32 v53, v52;
	v61 =	vadd.f32 v27, v0;
	v27 =	vld [tilespmem:$0x6F0];
	[tilespmem:$0x9D0] =	vst v51  }
0x83: {  	v63 =	vmul.f32 v59, v58;
	v41 =	vmul.f32 v31, v28;
	v49 =	vadd.f32 v14, v0;
	v14 =	vld [tilespmem:$0x710];
	[tilespmem:$0x960] =	vst v54  }
0x84: {  	v48 =	vmul.f32 v40, v37;
	v50 =	vcvt.s32.f32 v15;
	v52 =	vld [tilespmem:$0x1FF70];
	[tilespmem:$0x970] =	vst v57  }
0x85: {  	v53 =	vld [tilespmem:$0x1FF80];
	v31 =	vcvt.s32.f32 v6;
	v37 =	vadd.f32 v7, v0;
	v40 =	vcvt.s32.f32 v10;
	[tilespmem:$0x990] =	vst v63  }
0x86: {  	v58 =	vld [tilespmem:$0x1FFB0];
	v51 =	vmul.f32 v45, v44;
	v35 =	vmul.f32 v62, v61;
	[tilespmem:$0x9B0] =	vst v41  }
0x87: {  	v59 =	vld [tilespmem:$0x1FFC0];
	[tilespmem:$0x9C0] =	vst v48;
	v54 =	vmul.f32 v50, v49;
	v48 =	vmul.f32 v40, v37;
	v49 =	vadd.f32 v17, v0  }
0x88: {  	v61 =	vld [tilespmem:$0x1FFD0];
	v50 =	vcvt.s32.f32 v22;
	[tilespmem:$0xA50] =	vst v51;
	v37 =	vadd.f32 v11, v0;
	v2 =	vadd.f32 v55, v0  }
0x89: {  	v62 =	vld [tilespmem:$0x1FFE0];
	v8 =	vcvt.s32.f32 v56;
	v55 =	vadd.f32 v29, v0;
	v56 =	vcvt.s32.f32 v32;
	[tilespmem:$0x9A0] =	vst v35  }
0x8a: {  	v15 =	vld [tilespmem:$0x320];
	[tilespmem:$0x9E0] =	vst v54;
	v54 =	vmul.f32 v50, v49;
	v4 =	vadd.f32 v52, v0;
	v5 =	vcvt.s32.f32 v53  }
0x8b: {  	v28 =	vld [tilespmem:$0x1FFF0];
	v32 =	vadd.f32 v43, v0;
	[tilespmem:$0xA40] =	vst v48;
	v60 =	vmul.f32 v8, v2;
	v53 =	vcvt.s32.f32 v26  }
0x8c: {  	v6 =	vld [tilespmem:$0x340];
	v43 =	vadd.f32 v30, v0;
	v44 =	vcvt.s32.f32 v27;
	[tilespmem:$0xA60] =	vst v54;
	v57 =	vmul.f32 v5, v4  }
0x8d: {  	v10 =	vld [tilespmem:$0x350];
	v4 =	vadd.f32 v58, v0;
	v5 =	vcvt.s32.f32 v59;
	[tilespmem:$0xA00] =	vst v60;
	v60 =	vmul.f32 v56, v55  }
0x8e: {  	v17 =	vld [tilespmem:$0x760];
	v2 =	vadd.f32 v61, v0;
	v8 =	vcvt.s32.f32 v62;
	v49 =	vmul.f32 v44, v43;
	[tilespmem:$0x9F0] =	vst v57  }
0x8f: {  	v22 =	vld [tilespmem:$0x370];
	v52 =	vadd.f32 v23, v0;
	v59 =	vcvt.s32.f32 v38;
	v63 =	vmul.f32 v5, v4;
	[tilespmem:$0xA80] =	vst v60  }
0x90: {  	v11 =	vld [tilespmem:$0x390];
	v58 =	vadd.f32 v33, v0;
	v33 =	vcvt.s32.f32 v9;
	v35 =	vmul.f32 v8, v2;
	[tilespmem:$0xAF0] =	vst v49  }
0x91: {  	v40 =	vadd.f32 v36, v0;
	v36 =	vld [tilespmem:$0x3E0];
	v38 =	vcvt.s32.f32 v12;
	v57 =	vmul.f32 v53, v52;
	[tilespmem:$0xA10] =	vst v63  }
0x92: {  	v48 =	vld [tilespmem:$0x7A0];
	v61 =	vadd.f32 v39, v0;
	v4 =	vadd.f32 v28, v0;
	v39 =	vmul.f32 v33, v32;
	[tilespmem:$0xA20] =	vst v35  }
0x93: {  	v23 =	vld [tilespmem:$0x770];
	v62 =	vcvt.s32.f32 v42;
	v42 =	vmul.f32 v38, v37;
	[tilespmem:$0xA70] =	vst v57  }
0x94: {  	v26 =	vld [tilespmem:$0x380];
	v41 =	vmul.f32 v31, v4;
	[tilespmem:$0xAC0] =	vst v39  }
0x95: {  	v29 =	vcvt.s32.f32 v47;
	v27 =	vld [tilespmem:$0x3A0];
	v28 =	vadd.f32 v46, v0;
	v63 =	vmul.f32 v59, v58;
	[tilespmem:$0xAD0] =	vst v42  }
0x96: {  	v47 =	vcvt.s32.f32 v20;
	v12 =	vld [tilespmem:$0x790];
	v46 =	vadd.f32 v24, v0;
	v31 =	vmul.f32 v62, v61;
	[tilespmem:$0xA30] =	vst v41  }
0x97: {  	v50 =	vadd.f32 v18, v0;
	v51 =	vcvt.s32.f32 v14;
	v9 =	vld [tilespmem:$0x780];
	v35 =	vmul.f32 v29, v28;
	[tilespmem:$0xA90] =	vst v63  }
0x98: {  	v54 =	vadd.f32 v15, v0;
	v55 =	vcvt.s32.f32 v19;
	v56 =	vld [tilespmem:$0x7B0];
	v53 =	vmul.f32 v47, v46;
	[tilespmem:$0xAA0] =	vst v31  }
0x99: {  	v52 =	vld [tilespmem:$0x3B0];
	v57 =	vmul.f32 v51, v50;
	v58 =	vadd.f32 v21, v0;
	v59 =	vcvt.s32.f32 v25;
	[tilespmem:$0xAB0] =	vst v35  }
0x9a: {  	v19 =	vld [tilespmem:$0x7C0];
	v24 =	vadd.f32 v10, v0;
	v61 =	vmul.f32 v55, v54;
	v25 =	vcvt.s32.f32 v13;
	[tilespmem:$0xB00] =	vst v53  }
0x9b: {  	v8 =	vld [tilespmem:$0x740];
	v42 =	vadd.f32 v11, v0;
	v43 =	vcvt.s32.f32 v12;
	[tilespmem:$0xB10] =	vst v57;
	v21 =	vmul.f32 v59, v58  }
0x9c: {  	v44 =	vld [tilespmem:$0x3F0];
	v46 =	vadd.f32 v27, v0;
	v47 =	vcvt.s32.f32 v48;
	[tilespmem:$0xB20] =	vst v61;
	v33 =	vmul.f32 v25, v24  }
0x9d: {  	v30 =	vadd.f32 v16, v0;
	v60 =	vld [tilespmem:$0x3C0];
	v41 =	vcvt.s32.f32 v34;
	v49 =	vmul.f32 v43, v42;
	[tilespmem:$0xB30] =	vst v21  }
0x9e: {  	v32 =	vld [tilespmem:$0x7D0];
	v31 =	vcvt.s32.f32 v17;
	v50 =	vadd.f32 v52, v0;
	v52 =	vmul.f32 v47, v46;
	[tilespmem:$0xB50] =	vst v33  }
0x9f: {  	v28 =	vld [tilespmem:$0x3D0];
	v34 =	vadd.f32 v22, v0;
	v35 =	vcvt.s32.f32 v23;
	v45 =	vmul.f32 v41, v40;
	[tilespmem:$0xB90] =	vst v49  }
0xa0: {  	v62 =	vadd.f32 v6, v0;
	v48 =	vld [tilespmem:$0x7F0];
	v63 =	vcvt.s32.f32 v8;
	v37 =	vmul.f32 v31, v30;
	[tilespmem:$0xBA0] =	vst v52  }
0xa1: {  	v38 =	vadd.f32 v26, v0;
	v51 =	vcvt.s32.f32 v56;
	v40 =	vld [tilespmem:$0x7E0];
	v41 =	vmul.f32 v35, v34;
	[tilespmem:$0xAE0] =	vst v45  }
0xa2: {  	v54 =	vcvt.s32.f32 v19;
	v53 =	vadd.f32 v60, v0;
	v29 =	vmul.f32 v63, v62;
	[tilespmem:$0xB60] =	vst v37  }
0xa3: {  	v39 =	vcvt.s32.f32 v9;
	v59 =	vadd.f32 v36, v0;
	v55 =	vmul.f32 v51, v50;
	[tilespmem:$0xB70] =	vst v41  }
0xa4: {  	v57 =	vcvt.s32.f32 v32;
	v56 =	vadd.f32 v28, v0;
	v58 =	vmul.f32 v54, v53;
	[tilespmem:$0xB40] =	vst v29  }
0xa5: {  	v0 =	vadd.f32 v44, v0;
	v62 =	vcvt.s32.f32 v48;
	v45 =	vmul.f32 v39, v38;
	[tilespmem:$0xBB0] =	vst v55  }
0xa6: {  	v61 =	vmul.f32 v57, v56;
	[tilespmem:$0xBC0] =	vst v58;
	v60 =	vcvt.s32.f32 v40  }
0xa7: {  	v0 =	vmul.f32 v62, v0;
	[tilespmem:$0xB80] =	vst v45  }
0xa8: {  	[tilespmem:$0xBD0] =	vst v61;
	v63 =	vmul.f32 v60, v59  }
0xa9: {  	p0 =	sne.s32 s7, $0x1;
	[tilespmem:$0xBF0] =	vst v0  }
.Ltmp0:
0xaa: {  	[tilespmem:$0xBE0] =	vst v63;
	(pc) =	sbr.rel @p0 .LBB2_1-.Ltmp0, $4  }
0xab: {  	[hbm4b:s6+s3] =	stream.linear.scatter [tilespmem:s11], [sflag:$0x1], $0x400, $0x38;
	[tilespmem:$0xC80] =	vst v63  }
0xac: {  	_ =	swait.ge [sflag:s9], $0x400  }
0xad: {  	[sflag:s9] =	ssyncset.done $0x0  }
0xae: {  	s7 =	sadd.s32 $0xFFFFFFFF, s7;
	[sflag:s9] =	ssyncadd.s32 $0xFFFFFC00  }
0xaf: {  	_ =	sfence.sel $0x180000  }
0xb0: {  	[bflag:$0x0] =	sbarrier.arrive $0xFFFF  }
0xb1: {  	p0 =	sne.s32 s2, $0x0;
	_ =	strace $0x90000047  }
0xb2: {  	s0 =	sadd.s32 @!p0 $0x100000, s0;
	[bflag:$0x2] =	sbarrier.arrive $0xFFFF  }
0xb3: {  	[sflag:s0] =	ssyncadd.tile.s32 @!p0 $0x1;
	_ =	shalt  }
.Lfunc_end2:
_tile_overlayer_lowered:
.L_overlay_start_2:
0xb4: {  	(tag) =	ssettag $0x2  }
0xb5: {  	s0 =	rddreg [dreg:$0x0];
	s2 =	stileid.u32  }
0xb6: {  	s1 =	rddreg [dreg:$0x1];
	p0 =	sne.s32 s2, $0x0  }
0xb7: {  	s3 =	rddreg [dreg:$0x2];
	[bflag:$0x3] =	sbarrier.arrive $0xFFFF;
	s2 =	simm.s32 @!p0 $0x1C01  }
0xb8: {  	[timem:s3], [sflag:s2] =	dma.local @!p0 [hbm:s0], s1  }
0xb9: {  	s0 =	simm.s32 @!p0 $0x1  }
0xba: {  	_ =	swait.ge @!p0 [sflag:s0], s1  }
0xbb: {  	s1 =	ssub.s32 @!p0 $0x0, s1;
	[sflag:s0] =	ssyncset.done @!p0 $0x0  }
0xbc: {  	[sflag:s0] =	ssyncadd.s32 @!p0 s1  }
0xbd: {  	[bflag:$0x3] =	sbarrier.arrive $0xFFFF  }
0xbe: {  	_ =	shalt  }

</sc_bundles>
